<compile_context>
chip_gen: v7x
topology: tpu7x:2x2x1
jax: 0.10.2.dev20260603
libtpu: 0.0.44.dev20260713+nightly
codegen_flags: <defaults>
</compile_context>

<pallas_src>
import functools

import jax
import jax.numpy as jnp
from jax import lax
from jax.experimental import pallas as pl
from jax.experimental.pallas import tpu as pltpu
from jax.experimental.pallas import tpu_sc as plsc

VOCAB = 100000
EMBED_DIM = 128
B_ROWS = 4096
B_COLS = 50
B = B_ROWS * B_COLS

NC = 2
NS = 16
NW = NC * NS
B_PER_W = B // NW
MAJ_PER_W = B_ROWS // NW
CHUNK = 400
MAJ_PER_CHUNK = CHUNK // B_COLS
N_CHUNKS = B_PER_W // CHUNK


def _make_kernel():
  mesh = plsc.VectorSubcoreMesh(
      core_axis_name="c", subcore_axis_name="s",
      num_cores=NC, num_subcores=NS)

  @functools.partial(
      pl.kernel,
      out_type=jax.ShapeDtypeStruct((B_ROWS, B_COLS, EMBED_DIM), jnp.float32),
      mesh=mesh,
      scratch_types=[
          pltpu.VMEM((B_PER_W,), jnp.int32),
          pltpu.VMEM((CHUNK, EMBED_DIM), jnp.float32),
          pltpu.VMEM((CHUNK, EMBED_DIM), jnp.float32),
          pltpu.SemaphoreType.DMA,
          pltpu.SemaphoreType.DMA,
          pltpu.SemaphoreType.DMA,
          pltpu.SemaphoreType.DMA,
      ],
  )
  def gather_kernel(idx_hbm, table_hbm, out_hbm, idx_v, rows0, rows1,
                    g0, g1, s0, s1):
    wid = lax.axis_index("s") * NC + lax.axis_index("c")
    base = wid * B_PER_W
    maj0 = wid * MAJ_PER_W
    pltpu.sync_copy(idx_hbm.at[pl.ds(base, B_PER_W)], idx_v)

    def gather(c, buf, sem):
      return pltpu.make_async_copy(
          table_hbm.at[idx_v.at[pl.ds(c * CHUNK, CHUNK)]], buf, sem)

    def put_start(c, buf, sem):
      m0 = maj0 + c * MAJ_PER_CHUNK
      for j in range(MAJ_PER_CHUNK):
        pltpu.make_async_copy(
            buf.at[pl.ds(j * B_COLS, B_COLS)], out_hbm.at[m0 + j], sem
        ).start()

    def put_wait(c, buf, sem):
      m0 = maj0 + c * MAJ_PER_CHUNK
      for j in range(MAJ_PER_CHUNK):
        pltpu.make_async_copy(
            buf.at[pl.ds(j * B_COLS, B_COLS)], out_hbm.at[m0 + j], sem
        ).wait()

    gather(0, rows0, g0).start()
    gather(1, rows1, g1).start()

    def body(i, carry):
      c = i * 2
      gather(c, rows0, g0).wait()
      put_start(c, rows0, s0)
      gather(c + 1, rows1, g1).wait()
      put_start(c + 1, rows1, s1)
      put_wait(c, rows0, s0)

      @pl.when(c + 2 < N_CHUNKS)
      def _():
        gather(c + 2, rows0, g0).start()

      put_wait(c + 1, rows1, s1)

      @pl.when(c + 3 < N_CHUNKS)
      def _():
        gather(c + 3, rows1, g1).start()

      return carry

    lax.fori_loop(0, N_CHUNKS // 2, body, 0)

  return gather_kernel


_GATHER = _make_kernel()


def kernel(x, table):
  idx = x.reshape(-1).astype(jnp.int32)
  return _GATHER(idx, table)

# --- scband reference (transcript-rebuilt; emitter-appended) ---
"""Pipeline reference for scband-embedding-12816182411572 (READ-ONLY COPY).

The authoritative reference and input builder live on the scoring server;
editing this copy changes nothing except your own understanding.
"""

import jax, jax.numpy as jnp
import numpy as np

VOCAB = 100000
EMBED_DIM = 128
PAD_IDX = 0


def setup_inputs(seed: int = 0) -> dict:
    key = jax.random.key(seed)
    k_idx, k_tab = jax.random.split(key)
    x = jax.random.randint(k_idx, (4096, 50), 0, VOCAB, dtype=jnp.int64)
    table = jax.random.normal(k_tab, (VOCAB, EMBED_DIM), dtype=jnp.float32)
    # padding_idx row is zeroed, matching nn.Embedding(padding_idx=vocabular['<PAD>'])
    table = table.at[PAD_IDX].set(0.0)
    return {"x": x, "table": table}


def reference(x, table):
    # nn.Embedding forward: gather rows of the weight table by index
    return jnp.take(table, x, axis=0)

if __name__ == "__main__":
    import jax
    _d = setup_inputs()
    print(jax.jit(kernel)(*tuple(_d.values())))

</pallas_src>

<mosaic_0001>
#map = affine_map<(d0, d1) -> (0)>
#map1 = affine_map<(d0, d1) -> (0, 0)>
#map2 = affine_map<(d0, d1) -> (0, 0, 0)>
module attributes {stable_mosaic.version = 14 : i64} {
  func.func @gather_kernel(%arg0: i32, %arg1: i32, %arg2: memref<204800xi32, #tpu.memory_space<hbm>>, %arg3: memref<100000x128xf32, #tpu.memory_space<hbm>>, %arg4: memref<4096x50x128xf32, #tpu.memory_space<hbm>>, %arg5: memref<6400xi32, #tpu.memory_space<vmem>>, %arg6: memref<400x128xf32, #tpu.memory_space<vmem>>, %arg7: memref<400x128xf32, #tpu.memory_space<vmem>>, %arg8: memref<!tpu.dma_semaphore, #tpu.memory_space<semaphore_mem>>, %arg9: memref<!tpu.dma_semaphore, #tpu.memory_space<semaphore_mem>>, %arg10: memref<!tpu.dma_semaphore, #tpu.memory_space<semaphore_mem>>, %arg11: memref<!tpu.dma_semaphore, #tpu.memory_space<semaphore_mem>>) attributes {dimension_semantics = [#tpu.dimension_semantics<core_parallel>, #tpu.dimension_semantics<subcore_parallel>], iteration_bounds = array<i64: 2, 16>, scalar_prefetch = 0 : i64, scratch_operands = 7 : i64, tpu.core_type = #tpu.core_type<sc_vector_subcore>, window_params = [{transform_indices = #map}, {transform_indices = #map1}, {transform_indices = #map2}]} {
    %mul3A = arith.constant 2 : i32
    %mul3A_0 = arith.muli %arg1, %mul3A : i32
    %add3A = arith.addi %mul3A_0, %arg0 : i32
    %mul3A_1 = arith.constant 6400 : i32
    %mul3A_2 = arith.muli %add3A, %mul3A_1 : i32
    %mul3A_3 = arith.constant 128 : i32
    %mul3A_4 = arith.muli %add3A, %mul3A_3 : i32
    "tpu.region"() ({
      %run_scoped3A = tpu.sem_alloc : memref<!tpu.dma_semaphore, #tpu.memory_space<semaphore_mem>>
      %dma_start3A_19 = tpu.memref_slice %arg2[%mul3A_2] : memref<204800xi32, #tpu.memory_space<hbm>> -> memref<6400xi32, #tpu.memory_space<hbm>>
      %dma_start3A_20 = tpu.memref_slice %arg2[%mul3A_2] : memref<204800xi32, #tpu.memory_space<hbm>> -> memref<6400xi32, #tpu.memory_space<hbm>>
      tpu.enqueue_dma source(%dma_start3A_20 : memref<6400xi32, #tpu.memory_space<hbm>>) target(%arg5 : memref<6400xi32, #tpu.memory_space<vmem>>) target_semaphore(%run_scoped3A : memref<!tpu.dma_semaphore, #tpu.memory_space<semaphore_mem>>)
      %dma_wait3A = tpu.memref_slice %arg2[%mul3A_2] : memref<204800xi32, #tpu.memory_space<hbm>> -> memref<6400xi32, #tpu.memory_space<hbm>>
      %dma_wait3A_21 = tpu.memref_slice %arg2[%mul3A_2] : memref<204800xi32, #tpu.memory_space<hbm>> -> memref<6400xi32, #tpu.memory_space<hbm>>
      tpu.wait_dma2 semaphore(%run_scoped3A : memref<!tpu.dma_semaphore, #tpu.memory_space<semaphore_mem>>) src(%dma_wait3A_21 : memref<6400xi32, #tpu.memory_space<hbm>>) dst(%arg5 : memref<6400xi32, #tpu.memory_space<vmem>>)
      tpu.yield
    }) : () -> ()
    %dma_start3A = arith.constant 0 : i32
    %dma_start3A_5 = tpu.memref_slice %arg5[%dma_start3A] : memref<6400xi32, #tpu.memory_space<vmem>> -> memref<400xi32, #tpu.memory_space<vmem>>
    %dma_start3A_6 = arith.constant 0 : i32
    %dma_start3A_7 = arith.constant 0 : i32
    %dma_start3A_8 = tpu.memref_slice %arg3[%dma_start3A_6, %dma_start3A_7] : memref<100000x128xf32, #tpu.memory_space<hbm>> -> memref<100000x128xf32, #tpu.memory_space<hbm>>
    tpu.enqueue_indirect_dma source(%dma_start3A_8 : memref<100000x128xf32, #tpu.memory_space<hbm>>) target(%arg6 : memref<400x128xf32, #tpu.memory_space<vmem>>) offsets(%dma_start3A_5 : memref<400xi32, #tpu.memory_space<vmem>>) semaphore(%arg8 : memref<!tpu.dma_semaphore, #tpu.memory_space<semaphore_mem>>)
    %dma_start3A_9 = arith.constant 400 : i32
    %dma_start3A_10 = tpu.memref_slice %arg5[%dma_start3A_9] : memref<6400xi32, #tpu.memory_space<vmem>> -> memref<400xi32, #tpu.memory_space<vmem>>
    %dma_start3A_11 = arith.constant 0 : i32
    %dma_start3A_12 = arith.constant 0 : i32
    %dma_start3A_13 = tpu.memref_slice %arg3[%dma_start3A_11, %dma_start3A_12] : memref<100000x128xf32, #tpu.memory_space<hbm>> -> memref<100000x128xf32, #tpu.memory_space<hbm>>
    tpu.enqueue_indirect_dma source(%dma_start3A_13 : memref<100000x128xf32, #tpu.memory_space<hbm>>) target(%arg7 : memref<400x128xf32, #tpu.memory_space<vmem>>) offsets(%dma_start3A_10 : memref<400xi32, #tpu.memory_space<vmem>>) semaphore(%arg9 : memref<!tpu.dma_semaphore, #tpu.memory_space<semaphore_mem>>)
    %scan3A = arith.constant 0 : i32
    %scan3A_14 = arith.constant 0 : i32
    %scan3A_15 = arith.constant 8 : i32
    %scan3A_16 = arith.addi %scan3A_14, %scan3A_15 : i32
    %scan3A_17 = arith.constant 1 : i32
    scf.for %scan3A_19 = %scan3A_14 to %scan3A_16 step %scan3A_17  : i32 {
      %mul3A_20 = arith.constant 2 : i32
      %mul3A_21 = arith.muli %scan3A_19, %mul3A_20 : i32
      %mul3A_22 = arith.constant 400 : i32
      %mul3A_23 = arith.muli %mul3A_21, %mul3A_22 : i32
      %dma_wait3A = tpu.memref_slice %arg5[%mul3A_23] : memref<6400xi32, #tpu.memory_space<vmem>> -> memref<400xi32, #tpu.memory_space<vmem>>
      %dma_wait3A_24 = arith.constant 0 : i32
      %dma_wait3A_25 = arith.constant 0 : i32
      %dma_wait3A_26 = tpu.memref_slice %arg3[%dma_wait3A_24, %dma_wait3A_25] : memref<100000x128xf32, #tpu.memory_space<hbm>> -> memref<100000x128xf32, #tpu.memory_space<hbm>>
      tpu.wait_indirect_dma semaphore(%arg8 : memref<!tpu.dma_semaphore, #tpu.memory_space<semaphore_mem>>) src(%dma_wait3A_26 : memref<100000x128xf32, #tpu.memory_space<hbm>>) dst(%arg6 : memref<400x128xf32, #tpu.memory_space<vmem>>)
      %mul3A_27 = arith.constant 8 : i32
      %mul3A_28 = arith.muli %mul3A_21, %mul3A_27 : i32
      %add3A_29 = arith.addi %mul3A_4, %mul3A_28 : i32
      %add3A_30 = arith.constant 0 : i32
      %add3A_31 = arith.addi %add3A_29, %add3A_30 : i32
      %dma_start3A_32 = arith.constant 0 : i32
      %dma_start3A_33 = arith.constant 0 : i32
      %dma_start3A_34 = tpu.memref_slice %arg6[%dma_start3A_32, %dma_start3A_33] : memref<400x128xf32, #tpu.memory_space<vmem>> -> memref<50x128xf32, #tpu.memory_space<vmem>>
      %dma_start3A_35 = arith.constant 0 : i32
      %dma_start3A_36 = arith.constant 0 : i32
      %dma_start3A_37 = tpu.memref_slice %arg4[%add3A_31, %dma_start3A_35, %dma_start3A_36] : memref<4096x50x128xf32, #tpu.memory_space<hbm>> -> memref<1x50x128xf32, #tpu.memory_space<hbm>>
      %dma_start3A_38 = tpu.memref_squeeze %dma_start3A_37 : memref<1x50x128xf32, #tpu.memory_space<hbm>> -> memref<50x128xf32, #tpu.memory_space<hbm>>
      %dma_start3A_39 = arith.constant 0 : i32
      %dma_start3A_40 = arith.constant 0 : i32
      %dma_start3A_41 = tpu.memref_slice %arg4[%add3A_31, %dma_start3A_39, %dma_start3A_40] : memref<4096x50x128xf32, #tpu.memory_space<hbm>> -> memref<1x50x128xf32, #tpu.memory_space<hbm>>
      %dma_start3A_42 = tpu.memref_squeeze %dma_start3A_41 : memref<1x50x128xf32, #tpu.memory_space<hbm>> -> memref<50x128xf32, #tpu.memory_space<hbm>>
      %dma_start3A_43 = arith.constant 0 : i32
      %dma_start3A_44 = arith.constant 0 : i32
      %dma_start3A_45 = tpu.memref_slice %arg6[%dma_start3A_43, %dma_start3A_44] : memref<400x128xf32, #tpu.memory_space<vmem>> -> memref<50x128xf32, #tpu.memory_space<vmem>>
      tpu.enqueue_dma source(%dma_start3A_45 : memref<50x128xf32, #tpu.memory_space<vmem>>) target(%dma_start3A_42 : memref<50x128xf32, #tpu.memory_space<hbm>>) target_semaphore(%arg10 : memref<!tpu.dma_semaphore, #tpu.memory_space<semaphore_mem>>)
      %add3A_46 = arith.constant 1 : i32
      %add3A_47 = arith.addi %add3A_29, %add3A_46 : i32
      %dma_start3A_48 = arith.constant 50 : i32
      %dma_start3A_49 = arith.constant 0 : i32
      %dma_start3A_50 = tpu.memref_slice %arg6[%dma_start3A_48, %dma_start3A_49] : memref<400x128xf32, #tpu.memory_space<vmem>> -> memref<50x128xf32, #tpu.memory_space<vmem>>
      %dma_start3A_51 = arith.constant 0 : i32
      %dma_start3A_52 = arith.constant 0 : i32
      %dma_start3A_53 = tpu.memref_slice %arg4[%add3A_47, %dma_start3A_51, %dma_start3A_52] : memref<4096x50x128xf32, #tpu.memory_space<hbm>> -> memref<1x50x128xf32, #tpu.memory_space<hbm>>
      %dma_start3A_54 = tpu.memref_squeeze %dma_start3A_53 : memref<1x50x128xf32, #tpu.memory_space<hbm>> -> memref<50x128xf32, #tpu.memory_space<hbm>>
      %dma_start3A_55 = arith.constant 0 : i32
      %dma_start3A_56 = arith.constant 0 : i32
      %dma_start3A_57 = tpu.memref_slice %arg4[%add3A_47, %dma_start3A_55, %dma_start3A_56] : memref<4096x50x128xf32, #tpu.memory_space<hbm>> -> memref<1x50x128xf32, #tpu.memory_space<hbm>>
      %dma_start3A_58 = tpu.memref_squeeze %dma_start3A_57 : memref<1x50x128xf32, #tpu.memory_space<hbm>> -> memref<50x128xf32, #tpu.memory_space<hbm>>
      %dma_start3A_59 = arith.constant 50 : i32
      %dma_start3A_60 = arith.constant 0 : i32
      %dma_start3A_61 = tpu.memref_slice %arg6[%dma_start3A_59, %dma_start3A_60] : memref<400x128xf32, #tpu.memory_space<vmem>> -> memref<50x128xf32, #tpu.memory_space<vmem>>
      tpu.enqueue_dma source(%dma_start3A_61 : memref<50x128xf32, #tpu.memory_space<vmem>>) target(%dma_start3A_58 : memref<50x128xf32, #tpu.memory_space<hbm>>) target_semaphore(%arg10 : memref<!tpu.dma_semaphore, #tpu.memory_space<semaphore_mem>>)
      %add3A_62 = arith.constant 2 : i32
      %add3A_63 = arith.addi %add3A_29, %add3A_62 : i32
      %dma_start3A_64 = arith.constant 100 : i32
      %dma_start3A_65 = arith.constant 0 : i32
      %dma_start3A_66 = tpu.memref_slice %arg6[%dma_start3A_64, %dma_start3A_65] : memref<400x128xf32, #tpu.memory_space<vmem>> -> memref<50x128xf32, #tpu.memory_space<vmem>>
      %dma_start3A_67 = arith.constant 0 : i32
      %dma_start3A_68 = arith.constant 0 : i32
      %dma_start3A_69 = tpu.memref_slice %arg4[%add3A_63, %dma_start3A_67, %dma_start3A_68] : memref<4096x50x128xf32, #tpu.memory_space<hbm>> -> memref<1x50x128xf32, #tpu.memory_space<hbm>>
      %dma_start3A_70 = tpu.memref_squeeze %dma_start3A_69 : memref<1x50x128xf32, #tpu.memory_space<hbm>> -> memref<50x128xf32, #tpu.memory_space<hbm>>
      %dma_start3A_71 = arith.constant 0 : i32
      %dma_start3A_72 = arith.constant 0 : i32
      %dma_start3A_73 = tpu.memref_slice %arg4[%add3A_63, %dma_start3A_71, %dma_start3A_72] : memref<4096x50x128xf32, #tpu.memory_space<hbm>> -> memref<1x50x128xf32, #tpu.memory_space<hbm>>
      %dma_start3A_74 = tpu.memref_squeeze %dma_start3A_73 : memref<1x50x128xf32, #tpu.memory_space<hbm>> -> memref<50x128xf32, #tpu.memory_space<hbm>>
      %dma_start3A_75 = arith.constant 100 : i32
      %dma_start3A_76 = arith.constant 0 : i32
      %dma_start3A_77 = tpu.memref_slice %arg6[%dma_start3A_75, %dma_start3A_76] : memref<400x128xf32, #tpu.memory_space<vmem>> -> memref<50x128xf32, #tpu.memory_space<vmem>>
      tpu.enqueue_dma source(%dma_start3A_77 : memref<50x128xf32, #tpu.memory_space<vmem>>) target(%dma_start3A_74 : memref<50x128xf32, #tpu.memory_space<hbm>>) target_semaphore(%arg10 : memref<!tpu.dma_semaphore, #tpu.memory_space<semaphore_mem>>)
      %add3A_78 = arith.constant 3 : i32
      %add3A_79 = arith.addi %add3A_29, %add3A_78 : i32
      %dma_start3A_80 = arith.constant 150 : i32
      %dma_start3A_81 = arith.constant 0 : i32
      %dma_start3A_82 = tpu.memref_slice %arg6[%dma_start3A_80, %dma_start3A_81] : memref<400x128xf32, #tpu.memory_space<vmem>> -> memref<50x128xf32, #tpu.memory_space<vmem>>
      %dma_start3A_83 = arith.constant 0 : i32
      %dma_start3A_84 = arith.constant 0 : i32
      %dma_start3A_85 = tpu.memref_slice %arg4[%add3A_79, %dma_start3A_83, %dma_start3A_84] : memref<4096x50x128xf32, #tpu.memory_space<hbm>> -> memref<1x50x128xf32, #tpu.memory_space<hbm>>
      %dma_start3A_86 = tpu.memref_squeeze %dma_start3A_85 : memref<1x50x128xf32, #tpu.memory_space<hbm>> -> memref<50x128xf32, #tpu.memory_space<hbm>>
      %dma_start3A_87 = arith.constant 0 : i32
      %dma_start3A_88 = arith.constant 0 : i32
      %dma_start3A_89 = tpu.memref_slice %arg4[%add3A_79, %dma_start3A_87, %dma_start3A_88] : memref<4096x50x128xf32, #tpu.memory_space<hbm>> -> memref<1x50x128xf32, #tpu.memory_space<hbm>>
      %dma_start3A_90 = tpu.memref_squeeze %dma_start3A_89 : memref<1x50x128xf32, #tpu.memory_space<hbm>> -> memref<50x128xf32, #tpu.memory_space<hbm>>
      %dma_start3A_91 = arith.constant 150 : i32
      %dma_start3A_92 = arith.constant 0 : i32
      %dma_start3A_93 = tpu.memref_slice %arg6[%dma_start3A_91, %dma_start3A_92] : memref<400x128xf32, #tpu.memory_space<vmem>> -> memref<50x128xf32, #tpu.memory_space<vmem>>
      tpu.enqueue_dma source(%dma_start3A_93 : memref<50x128xf32, #tpu.memory_space<vmem>>) target(%dma_start3A_90 : memref<50x128xf32, #tpu.memory_space<hbm>>) target_semaphore(%arg10 : memref<!tpu.dma_semaphore, #tpu.memory_space<semaphore_mem>>)
      %add3A_94 = arith.constant 4 : i32
      %add3A_95 = arith.addi %add3A_29, %add3A_94 : i32
      %dma_start3A_96 = arith.constant 200 : i32
      %dma_start3A_97 = arith.constant 0 : i32
      %dma_start3A_98 = tpu.memref_slice %arg6[%dma_start3A_96, %dma_start3A_97] : memref<400x128xf32, #tpu.memory_space<vmem>> -> memref<50x128xf32, #tpu.memory_space<vmem>>
      %dma_start3A_99 = arith.constant 0 : i32
      %dma_start3A_100 = arith.constant 0 : i32
      %dma_start3A_101 = tpu.memref_slice %arg4[%add3A_95, %dma_start3A_99, %dma_start3A_100] : memref<4096x50x128xf32, #tpu.memory_space<hbm>> -> memref<1x50x128xf32, #tpu.memory_space<hbm>>
      %dma_start3A_102 = tpu.memref_squeeze %dma_start3A_101 : memref<1x50x128xf32, #tpu.memory_space<hbm>> -> memref<50x128xf32, #tpu.memory_space<hbm>>
      %dma_start3A_103 = arith.constant 0 : i32
      %dma_start3A_104 = arith.constant 0 : i32
      %dma_start3A_105 = tpu.memref_slice %arg4[%add3A_95, %dma_start3A_103, %dma_start3A_104] : memref<4096x50x128xf32, #tpu.memory_space<hbm>> -> memref<1x50x128xf32, #tpu.memory_space<hbm>>
      %dma_start3A_106 = tpu.memref_squeeze %dma_start3A_105 : memref<1x50x128xf32, #tpu.memory_space<hbm>> -> memref<50x128xf32, #tpu.memory_space<hbm>>
      %dma_start3A_107 = arith.constant 200 : i32
      %dma_start3A_108 = arith.constant 0 : i32
      %dma_start3A_109 = tpu.memref_slice %arg6[%dma_start3A_107, %dma_start3A_108] : memref<400x128xf32, #tpu.memory_space<vmem>> -> memref<50x128xf32, #tpu.memory_space<vmem>>
      tpu.enqueue_dma source(%dma_start3A_109 : memref<50x128xf32, #tpu.memory_space<vmem>>) target(%dma_start3A_106 : memref<50x128xf32, #tpu.memory_space<hbm>>) target_semaphore(%arg10 : memref<!tpu.dma_semaphore, #tpu.memory_space<semaphore_mem>>)
      %add3A_110 = arith.constant 5 : i32
      %add3A_111 = arith.addi %add3A_29, %add3A_110 : i32
      %dma_start3A_112 = arith.constant 250 : i32
      %dma_start3A_113 = arith.constant 0 : i32
      %dma_start3A_114 = tpu.memref_slice %arg6[%dma_start3A_112, %dma_start3A_113] : memref<400x128xf32, #tpu.memory_space<vmem>> -> memref<50x128xf32, #tpu.memory_space<vmem>>
      %dma_start3A_115 = arith.constant 0 : i32
      %dma_start3A_116 = arith.constant 0 : i32
      %dma_start3A_117 = tpu.memref_slice %arg4[%add3A_111, %dma_start3A_115, %dma_start3A_116] : memref<4096x50x128xf32, #tpu.memory_space<hbm>> -> memref<1x50x128xf32, #tpu.memory_space<hbm>>
      %dma_start3A_118 = tpu.memref_squeeze %dma_start3A_117 : memref<1x50x128xf32, #tpu.memory_space<hbm>> -> memref<50x128xf32, #tpu.memory_space<hbm>>
      %dma_start3A_119 = arith.constant 0 : i32
      %dma_start3A_120 = arith.constant 0 : i32
      %dma_start3A_121 = tpu.memref_slice %arg4[%add3A_111, %dma_start3A_119, %dma_start3A_120] : memref<4096x50x128xf32, #tpu.memory_space<hbm>> -> memref<1x50x128xf32, #tpu.memory_space<hbm>>
      %dma_start3A_122 = tpu.memref_squeeze %dma_start3A_121 : memref<1x50x128xf32, #tpu.memory_space<hbm>> -> memref<50x128xf32, #tpu.memory_space<hbm>>
      %dma_start3A_123 = arith.constant 250 : i32
      %dma_start3A_124 = arith.constant 0 : i32
      %dma_start3A_125 = tpu.memref_slice %arg6[%dma_start3A_123, %dma_start3A_124] : memref<400x128xf32, #tpu.memory_space<vmem>> -> memref<50x128xf32, #tpu.memory_space<vmem>>
      tpu.enqueue_dma source(%dma_start3A_125 : memref<50x128xf32, #tpu.memory_space<vmem>>) target(%dma_start3A_122 : memref<50x128xf32, #tpu.memory_space<hbm>>) target_semaphore(%arg10 : memref<!tpu.dma_semaphore, #tpu.memory_space<semaphore_mem>>)
      %add3A_126 = arith.constant 6 : i32
      %add3A_127 = arith.addi %add3A_29, %add3A_126 : i32
      %dma_start3A_128 = arith.constant 300 : i32
      %dma_start3A_129 = arith.constant 0 : i32
      %dma_start3A_130 = tpu.memref_slice %arg6[%dma_start3A_128, %dma_start3A_129] : memref<400x128xf32, #tpu.memory_space<vmem>> -> memref<50x128xf32, #tpu.memory_space<vmem>>
      %dma_start3A_131 = arith.constant 0 : i32
      %dma_start3A_132 = arith.constant 0 : i32
      %dma_start3A_133 = tpu.memref_slice %arg4[%add3A_127, %dma_start3A_131, %dma_start3A_132] : memref<4096x50x128xf32, #tpu.memory_space<hbm>> -> memref<1x50x128xf32, #tpu.memory_space<hbm>>
      %dma_start3A_134 = tpu.memref_squeeze %dma_start3A_133 : memref<1x50x128xf32, #tpu.memory_space<hbm>> -> memref<50x128xf32, #tpu.memory_space<hbm>>
      %dma_start3A_135 = arith.constant 0 : i32
      %dma_start3A_136 = arith.constant 0 : i32
      %dma_start3A_137 = tpu.memref_slice %arg4[%add3A_127, %dma_start3A_135, %dma_start3A_136] : memref<4096x50x128xf32, #tpu.memory_space<hbm>> -> memref<1x50x128xf32, #tpu.memory_space<hbm>>
      %dma_start3A_138 = tpu.memref_squeeze %dma_start3A_137 : memref<1x50x128xf32, #tpu.memory_space<hbm>> -> memref<50x128xf32, #tpu.memory_space<hbm>>
      %dma_start3A_139 = arith.constant 300 : i32
      %dma_start3A_140 = arith.constant 0 : i32
      %dma_start3A_141 = tpu.memref_slice %arg6[%dma_start3A_139, %dma_start3A_140] : memref<400x128xf32, #tpu.memory_space<vmem>> -> memref<50x128xf32, #tpu.memory_space<vmem>>
      tpu.enqueue_dma source(%dma_start3A_141 : memref<50x128xf32, #tpu.memory_space<vmem>>) target(%dma_start3A_138 : memref<50x128xf32, #tpu.memory_space<hbm>>) target_semaphore(%arg10 : memref<!tpu.dma_semaphore, #tpu.memory_space<semaphore_mem>>)
      %add3A_142 = arith.constant 7 : i32
      %add3A_143 = arith.addi %add3A_29, %add3A_142 : i32
      %dma_start3A_144 = arith.constant 350 : i32
      %dma_start3A_145 = arith.constant 0 : i32
      %dma_start3A_146 = tpu.memref_slice %arg6[%dma_start3A_144, %dma_start3A_145] : memref<400x128xf32, #tpu.memory_space<vmem>> -> memref<50x128xf32, #tpu.memory_space<vmem>>
      %dma_start3A_147 = arith.constant 0 : i32
      %dma_start3A_148 = arith.constant 0 : i32
      %dma_start3A_149 = tpu.memref_slice %arg4[%add3A_143, %dma_start3A_147, %dma_start3A_148] : memref<4096x50x128xf32, #tpu.memory_space<hbm>> -> memref<1x50x128xf32, #tpu.memory_space<hbm>>
      %dma_start3A_150 = tpu.memref_squeeze %dma_start3A_149 : memref<1x50x128xf32, #tpu.memory_space<hbm>> -> memref<50x128xf32, #tpu.memory_space<hbm>>
      %dma_start3A_151 = arith.constant 0 : i32
      %dma_start3A_152 = arith.constant 0 : i32
      %dma_start3A_153 = tpu.memref_slice %arg4[%add3A_143, %dma_start3A_151, %dma_start3A_152] : memref<4096x50x128xf32, #tpu.memory_space<hbm>> -> memref<1x50x128xf32, #tpu.memory_space<hbm>>
      %dma_start3A_154 = tpu.memref_squeeze %dma_start3A_153 : memref<1x50x128xf32, #tpu.memory_space<hbm>> -> memref<50x128xf32, #tpu.memory_space<hbm>>
      %dma_start3A_155 = arith.constant 350 : i32
      %dma_start3A_156 = arith.constant 0 : i32
      %dma_start3A_157 = tpu.memref_slice %arg6[%dma_start3A_155, %dma_start3A_156] : memref<400x128xf32, #tpu.memory_space<vmem>> -> memref<50x128xf32, #tpu.memory_space<vmem>>
      tpu.enqueue_dma source(%dma_start3A_157 : memref<50x128xf32, #tpu.memory_space<vmem>>) target(%dma_start3A_154 : memref<50x128xf32, #tpu.memory_space<hbm>>) target_semaphore(%arg10 : memref<!tpu.dma_semaphore, #tpu.memory_space<semaphore_mem>>)
      %add3A_158 = arith.constant 1 : i32
      %add3A_159 = arith.addi %mul3A_21, %add3A_158 : i32
      %mul3A_160 = arith.constant 400 : i32
      %mul3A_161 = arith.muli %add3A_159, %mul3A_160 : i32
      %dma_wait3A_162 = tpu.memref_slice %arg5[%mul3A_161] : memref<6400xi32, #tpu.memory_space<vmem>> -> memref<400xi32, #tpu.memory_space<vmem>>
      %dma_wait3A_163 = arith.constant 0 : i32
      %dma_wait3A_164 = arith.constant 0 : i32
      %dma_wait3A_165 = tpu.memref_slice %arg3[%dma_wait3A_163, %dma_wait3A_164] : memref<100000x128xf32, #tpu.memory_space<hbm>> -> memref<100000x128xf32, #tpu.memory_space<hbm>>
      tpu.wait_indirect_dma semaphore(%arg9 : memref<!tpu.dma_semaphore, #tpu.memory_space<semaphore_mem>>) src(%dma_wait3A_165 : memref<100000x128xf32, #tpu.memory_space<hbm>>) dst(%arg7 : memref<400x128xf32, #tpu.memory_space<vmem>>)
      %add3A_166 = arith.constant 1 : i32
      %add3A_167 = arith.addi %mul3A_21, %add3A_166 : i32
      %mul3A_168 = arith.constant 8 : i32
      %mul3A_169 = arith.muli %add3A_167, %mul3A_168 : i32
      %add3A_170 = arith.addi %mul3A_4, %mul3A_169 : i32
      %add3A_171 = arith.constant 0 : i32
      %add3A_172 = arith.addi %add3A_170, %add3A_171 : i32
      %dma_start3A_173 = arith.constant 0 : i32
      %dma_start3A_174 = arith.constant 0 : i32
      %dma_start3A_175 = tpu.memref_slice %arg7[%dma_start3A_173, %dma_start3A_174] : memref<400x128xf32, #tpu.memory_space<vmem>> -> memref<50x128xf32, #tpu.memory_space<vmem>>
      %dma_start3A_176 = arith.constant 0 : i32
      %dma_start3A_177 = arith.constant 0 : i32
      %dma_start3A_178 = tpu.memref_slice %arg4[%add3A_172, %dma_start3A_176, %dma_start3A_177] : memref<4096x50x128xf32, #tpu.memory_space<hbm>> -> memref<1x50x128xf32, #tpu.memory_space<hbm>>
      %dma_start3A_179 = tpu.memref_squeeze %dma_start3A_178 : memref<1x50x128xf32, #tpu.memory_space<hbm>> -> memref<50x128xf32, #tpu.memory_space<hbm>>
      %dma_start3A_180 = arith.constant 0 : i32
      %dma_start3A_181 = arith.constant 0 : i32
      %dma_start3A_182 = tpu.memref_slice %arg4[%add3A_172, %dma_start3A_180, %dma_start3A_181] : memref<4096x50x128xf32, #tpu.memory_space<hbm>> -> memref<1x50x128xf32, #tpu.memory_space<hbm>>
      %dma_start3A_183 = tpu.memref_squeeze %dma_start3A_182 : memref<1x50x128xf32, #tpu.memory_space<hbm>> -> memref<50x128xf32, #tpu.memory_space<hbm>>
      %dma_start3A_184 = arith.constant 0 : i32
      %dma_start3A_185 = arith.constant 0 : i32
      %dma_start3A_186 = tpu.memref_slice %arg7[%dma_start3A_184, %dma_start3A_185] : memref<400x128xf32, #tpu.memory_space<vmem>> -> memref<50x128xf32, #tpu.memory_space<vmem>>
      tpu.enqueue_dma source(%dma_start3A_186 : memref<50x128xf32, #tpu.memory_space<vmem>>) target(%dma_start3A_183 : memref<50x128xf32, #tpu.memory_space<hbm>>) target_semaphore(%arg11 : memref<!tpu.dma_semaphore, #tpu.memory_space<semaphore_mem>>)
      %add3A_187 = arith.constant 1 : i32
      %add3A_188 = arith.addi %add3A_170, %add3A_187 : i32
      %dma_start3A_189 = arith.constant 50 : i32
      %dma_start3A_190 = arith.constant 0 : i32
      %dma_start3A_191 = tpu.memref_slice %arg7[%dma_start3A_189, %dma_start3A_190] : memref<400x128xf32, #tpu.memory_space<vmem>> -> memref<50x128xf32, #tpu.memory_space<vmem>>
      %dma_start3A_192 = arith.constant 0 : i32
      %dma_start3A_193 = arith.constant 0 : i32
      %dma_start3A_194 = tpu.memref_slice %arg4[%add3A_188, %dma_start3A_192, %dma_start3A_193] : memref<4096x50x128xf32, #tpu.memory_space<hbm>> -> memref<1x50x128xf32, #tpu.memory_space<hbm>>
      %dma_start3A_195 = tpu.memref_squeeze %dma_start3A_194 : memref<1x50x128xf32, #tpu.memory_space<hbm>> -> memref<50x128xf32, #tpu.memory_space<hbm>>
      %dma_start3A_196 = arith.constant 0 : i32
      %dma_start3A_197 = arith.constant 0 : i32
      %dma_start3A_198 = tpu.memref_slice %arg4[%add3A_188, %dma_start3A_196, %dma_start3A_197] : memref<4096x50x128xf32, #tpu.memory_space<hbm>> -> memref<1x50x128xf32, #tpu.memory_space<hbm>>
      %dma_start3A_199 = tpu.memref_squeeze %dma_start3A_198 : memref<1x50x128xf32, #tpu.memory_space<hbm>> -> memref<50x128xf32, #tpu.memory_space<hbm>>
      %dma_start3A_200 = arith.constant 50 : i32
      %dma_start3A_201 = arith.constant 0 : i32
      %dma_start3A_202 = tpu.memref_slice %arg7[%dma_start3A_200, %dma_start3A_201] : memref<400x128xf32, #tpu.memory_space<vmem>> -> memref<50x128xf32, #tpu.memory_space<vmem>>
      tpu.enqueue_dma source(%dma_start3A_202 : memref<50x128xf32, #tpu.memory_space<vmem>>) target(%dma_start3A_199 : memref<50x128xf32, #tpu.memory_space<hbm>>) target_semaphore(%arg11 : memref<!tpu.dma_semaphore, #tpu.memory_space<semaphore_mem>>)
      %add3A_203 = arith.constant 2 : i32
      %add3A_204 = arith.addi %add3A_170, %add3A_203 : i32
      %dma_start3A_205 = arith.constant 100 : i32
      %dma_start3A_206 = arith.constant 0 : i32
      %dma_start3A_207 = tpu.memref_slice %arg7[%dma_start3A_205, %dma_start3A_206] : memref<400x128xf32, #tpu.memory_space<vmem>> -> memref<50x128xf32, #tpu.memory_space<vmem>>
      %dma_start3A_208 = arith.constant 0 : i32
      %dma_start3A_209 = arith.constant 0 : i32
      %dma_start3A_210 = tpu.memref_slice %arg4[%add3A_204, %dma_start3A_208, %dma_start3A_209] : memref<4096x50x128xf32, #tpu.memory_space<hbm>> -> memref<1x50x128xf32, #tpu.memory_space<hbm>>
      %dma_start3A_211 = tpu.memref_squeeze %dma_start3A_210 : memref<1x50x128xf32, #tpu.memory_space<hbm>> -> memref<50x128xf32, #tpu.memory_space<hbm>>
      %dma_start3A_212 = arith.constant 0 : i32
      %dma_start3A_213 = arith.constant 0 : i32
      %dma_start3A_214 = tpu.memref_slice %arg4[%add3A_204, %dma_start3A_212, %dma_start3A_213] : memref<4096x50x128xf32, #tpu.memory_space<hbm>> -> memref<1x50x128xf32, #tpu.memory_space<hbm>>
      %dma_start3A_215 = tpu.memref_squeeze %dma_start3A_214 : memref<1x50x128xf32, #tpu.memory_space<hbm>> -> memref<50x128xf32, #tpu.memory_space<hbm>>
      %dma_start3A_216 = arith.constant 100 : i32
      %dma_start3A_217 = arith.constant 0 : i32
      %dma_start3A_218 = tpu.memref_slice %arg7[%dma_start3A_216, %dma_start3A_217] : memref<400x128xf32, #tpu.memory_space<vmem>> -> memref<50x128xf32, #tpu.memory_space<vmem>>
      tpu.enqueue_dma source(%dma_start3A_218 : memref<50x128xf32, #tpu.memory_space<vmem>>) target(%dma_start3A_215 : memref<50x128xf32, #tpu.memory_space<hbm>>) target_semaphore(%arg11 : memref<!tpu.dma_semaphore, #tpu.memory_space<semaphore_mem>>)
      %add3A_219 = arith.constant 3 : i32
      %add3A_220 = arith.addi %add3A_170, %add3A_219 : i32
      %dma_start3A_221 = arith.constant 150 : i32
      %dma_start3A_222 = arith.constant 0 : i32
      %dma_start3A_223 = tpu.memref_slice %arg7[%dma_start3A_221, %dma_start3A_222] : memref<400x128xf32, #tpu.memory_space<vmem>> -> memref<50x128xf32, #tpu.memory_space<vmem>>
      %dma_start3A_224 = arith.constant 0 : i32
      %dma_start3A_225 = arith.constant 0 : i32
      %dma_start3A_226 = tpu.memref_slice %arg4[%add3A_220, %dma_start3A_224, %dma_start3A_225] : memref<4096x50x128xf32, #tpu.memory_space<hbm>> -> memref<1x50x128xf32, #tpu.memory_space<hbm>>
      %dma_start3A_227 = tpu.memref_squeeze %dma_start3A_226 : memref<1x50x128xf32, #tpu.memory_space<hbm>> -> memref<50x128xf32, #tpu.memory_space<hbm>>
      %dma_start3A_228 = arith.constant 0 : i32
      %dma_start3A_229 = arith.constant 0 : i32
      %dma_start3A_230 = tpu.memref_slice %arg4[%add3A_220, %dma_start3A_228, %dma_start3A_229] : memref<4096x50x128xf32, #tpu.memory_space<hbm>> -> memref<1x50x128xf32, #tpu.memory_space<hbm>>
      %dma_start3A_231 = tpu.memref_squeeze %dma_start3A_230 : memref<1x50x128xf32, #tpu.memory_space<hbm>> -> memref<50x128xf32, #tpu.memory_space<hbm>>
      %dma_start3A_232 = arith.constant 150 : i32
      %dma_start3A_233 = arith.constant 0 : i32
      %dma_start3A_234 = tpu.memref_slice %arg7[%dma_start3A_232, %dma_start3A_233] : memref<400x128xf32, #tpu.memory_space<vmem>> -> memref<50x128xf32, #tpu.memory_space<vmem>>
      tpu.enqueue_dma source(%dma_start3A_234 : memref<50x128xf32, #tpu.memory_space<vmem>>) target(%dma_start3A_231 : memref<50x128xf32, #tpu.memory_space<hbm>>) target_semaphore(%arg11 : memref<!tpu.dma_semaphore, #tpu.memory_space<semaphore_mem>>)
      %add3A_235 = arith.constant 4 : i32
      %add3A_236 = arith.addi %add3A_170, %add3A_235 : i32
      %dma_start3A_237 = arith.constant 200 : i32
      %dma_start3A_238 = arith.constant 0 : i32
      %dma_start3A_239 = tpu.memref_slice %arg7[%dma_start3A_237, %dma_start3A_238] : memref<400x128xf32, #tpu.memory_space<vmem>> -> memref<50x128xf32, #tpu.memory_space<vmem>>
      %dma_start3A_240 = arith.constant 0 : i32
      %dma_start3A_241 = arith.constant 0 : i32
      %dma_start3A_242 = tpu.memref_slice %arg4[%add3A_236, %dma_start3A_240, %dma_start3A_241] : memref<4096x50x128xf32, #tpu.memory_space<hbm>> -> memref<1x50x128xf32, #tpu.memory_space<hbm>>
      %dma_start3A_243 = tpu.memref_squeeze %dma_start3A_242 : memref<1x50x128xf32, #tpu.memory_space<hbm>> -> memref<50x128xf32, #tpu.memory_space<hbm>>
      %dma_start3A_244 = arith.constant 0 : i32
      %dma_start3A_245 = arith.constant 0 : i32
      %dma_start3A_246 = tpu.memref_slice %arg4[%add3A_236, %dma_start3A_244, %dma_start3A_245] : memref<4096x50x128xf32, #tpu.memory_space<hbm>> -> memref<1x50x128xf32, #tpu.memory_space<hbm>>
      %dma_start3A_247 = tpu.memref_squeeze %dma_start3A_246 : memref<1x50x128xf32, #tpu.memory_space<hbm>> -> memref<50x128xf32, #tpu.memory_space<hbm>>
      %dma_start3A_248 = arith.constant 200 : i32
      %dma_start3A_249 = arith.constant 0 : i32
      %dma_start3A_250 = tpu.memref_slice %arg7[%dma_start3A_248, %dma_start3A_249] : memref<400x128xf32, #tpu.memory_space<vmem>> -> memref<50x128xf32, #tpu.memory_space<vmem>>
      tpu.enqueue_dma source(%dma_start3A_250 : memref<50x128xf32, #tpu.memory_space<vmem>>) target(%dma_start3A_247 : memref<50x128xf32, #tpu.memory_space<hbm>>) target_semaphore(%arg11 : memref<!tpu.dma_semaphore, #tpu.memory_space<semaphore_mem>>)
      %add3A_251 = arith.constant 5 : i32
      %add3A_252 = arith.addi %add3A_170, %add3A_251 : i32
      %dma_start3A_253 = arith.constant 250 : i32
      %dma_start3A_254 = arith.constant 0 : i32
      %dma_start3A_255 = tpu.memref_slice %arg7[%dma_start3A_253, %dma_start3A_254] : memref<400x128xf32, #tpu.memory_space<vmem>> -> memref<50x128xf32, #tpu.memory_space<vmem>>
      %dma_start3A_256 = arith.constant 0 : i32
      %dma_start3A_257 = arith.constant 0 : i32
      %dma_start3A_258 = tpu.memref_slice %arg4[%add3A_252, %dma_start3A_256, %dma_start3A_257] : memref<4096x50x128xf32, #tpu.memory_space<hbm>> -> memref<1x50x128xf32, #tpu.memory_space<hbm>>
      %dma_start3A_259 = tpu.memref_squeeze %dma_start3A_258 : memref<1x50x128xf32, #tpu.memory_space<hbm>> -> memref<50x128xf32, #tpu.memory_space<hbm>>
      %dma_start3A_260 = arith.constant 0 : i32
      %dma_start3A_261 = arith.constant 0 : i32
      %dma_start3A_262 = tpu.memref_slice %arg4[%add3A_252, %dma_start3A_260, %dma_start3A_261] : memref<4096x50x128xf32, #tpu.memory_space<hbm>> -> memref<1x50x128xf32, #tpu.memory_space<hbm>>
      %dma_start3A_263 = tpu.memref_squeeze %dma_start3A_262 : memref<1x50x128xf32, #tpu.memory_space<hbm>> -> memref<50x128xf32, #tpu.memory_space<hbm>>
      %dma_start3A_264 = arith.constant 250 : i32
      %dma_start3A_265 = arith.constant 0 : i32
      %dma_start3A_266 = tpu.memref_slice %arg7[%dma_start3A_264, %dma_start3A_265] : memref<400x128xf32, #tpu.memory_space<vmem>> -> memref<50x128xf32, #tpu.memory_space<vmem>>
      tpu.enqueue_dma source(%dma_start3A_266 : memref<50x128xf32, #tpu.memory_space<vmem>>) target(%dma_start3A_263 : memref<50x128xf32, #tpu.memory_space<hbm>>) target_semaphore(%arg11 : memref<!tpu.dma_semaphore, #tpu.memory_space<semaphore_mem>>)
      %add3A_267 = arith.constant 6 : i32
      %add3A_268 = arith.addi %add3A_170, %add3A_267 : i32
      %dma_start3A_269 = arith.constant 300 : i32
      %dma_start3A_270 = arith.constant 0 : i32
      %dma_start3A_271 = tpu.memref_slice %arg7[%dma_start3A_269, %dma_start3A_270] : memref<400x128xf32, #tpu.memory_space<vmem>> -> memref<50x128xf32, #tpu.memory_space<vmem>>
      %dma_start3A_272 = arith.constant 0 : i32
      %dma_start3A_273 = arith.constant 0 : i32
      %dma_start3A_274 = tpu.memref_slice %arg4[%add3A_268, %dma_start3A_272, %dma_start3A_273] : memref<4096x50x128xf32, #tpu.memory_space<hbm>> -> memref<1x50x128xf32, #tpu.memory_space<hbm>>
      %dma_start3A_275 = tpu.memref_squeeze %dma_start3A_274 : memref<1x50x128xf32, #tpu.memory_space<hbm>> -> memref<50x128xf32, #tpu.memory_space<hbm>>
      %dma_start3A_276 = arith.constant 0 : i32
      %dma_start3A_277 = arith.constant 0 : i32
      %dma_start3A_278 = tpu.memref_slice %arg4[%add3A_268, %dma_start3A_276, %dma_start3A_277] : memref<4096x50x128xf32, #tpu.memory_space<hbm>> -> memref<1x50x128xf32, #tpu.memory_space<hbm>>
      %dma_start3A_279 = tpu.memref_squeeze %dma_start3A_278 : memref<1x50x128xf32, #tpu.memory_space<hbm>> -> memref<50x128xf32, #tpu.memory_space<hbm>>
      %dma_start3A_280 = arith.constant 300 : i32
      %dma_start3A_281 = arith.constant 0 : i32
      %dma_start3A_282 = tpu.memref_slice %arg7[%dma_start3A_280, %dma_start3A_281] : memref<400x128xf32, #tpu.memory_space<vmem>> -> memref<50x128xf32, #tpu.memory_space<vmem>>
      tpu.enqueue_dma source(%dma_start3A_282 : memref<50x128xf32, #tpu.memory_space<vmem>>) target(%dma_start3A_279 : memref<50x128xf32, #tpu.memory_space<hbm>>) target_semaphore(%arg11 : memref<!tpu.dma_semaphore, #tpu.memory_space<semaphore_mem>>)
      %add3A_283 = arith.constant 7 : i32
      %add3A_284 = arith.addi %add3A_170, %add3A_283 : i32
      %dma_start3A_285 = arith.constant 350 : i32
      %dma_start3A_286 = arith.constant 0 : i32
      %dma_start3A_287 = tpu.memref_slice %arg7[%dma_start3A_285, %dma_start3A_286] : memref<400x128xf32, #tpu.memory_space<vmem>> -> memref<50x128xf32, #tpu.memory_space<vmem>>
      %dma_start3A_288 = arith.constant 0 : i32
      %dma_start3A_289 = arith.constant 0 : i32
      %dma_start3A_290 = tpu.memref_slice %arg4[%add3A_284, %dma_start3A_288, %dma_start3A_289] : memref<4096x50x128xf32, #tpu.memory_space<hbm>> -> memref<1x50x128xf32, #tpu.memory_space<hbm>>
      %dma_start3A_291 = tpu.memref_squeeze %dma_start3A_290 : memref<1x50x128xf32, #tpu.memory_space<hbm>> -> memref<50x128xf32, #tpu.memory_space<hbm>>
      %dma_start3A_292 = arith.constant 0 : i32
      %dma_start3A_293 = arith.constant 0 : i32
      %dma_start3A_294 = tpu.memref_slice %arg4[%add3A_284, %dma_start3A_292, %dma_start3A_293] : memref<4096x50x128xf32, #tpu.memory_space<hbm>> -> memref<1x50x128xf32, #tpu.memory_space<hbm>>
      %dma_start3A_295 = tpu.memref_squeeze %dma_start3A_294 : memref<1x50x128xf32, #tpu.memory_space<hbm>> -> memref<50x128xf32, #tpu.memory_space<hbm>>
      %dma_start3A_296 = arith.constant 350 : i32
      %dma_start3A_297 = arith.constant 0 : i32
      %dma_start3A_298 = tpu.memref_slice %arg7[%dma_start3A_296, %dma_start3A_297] : memref<400x128xf32, #tpu.memory_space<vmem>> -> memref<50x128xf32, #tpu.memory_space<vmem>>
      tpu.enqueue_dma source(%dma_start3A_298 : memref<50x128xf32, #tpu.memory_space<vmem>>) target(%dma_start3A_295 : memref<50x128xf32, #tpu.memory_space<hbm>>) target_semaphore(%arg11 : memref<!tpu.dma_semaphore, #tpu.memory_space<semaphore_mem>>)
      %mul3A_299 = arith.constant 8 : i32
      %mul3A_300 = arith.muli %mul3A_21, %mul3A_299 : i32
      %add3A_301 = arith.addi %mul3A_4, %mul3A_300 : i32
      %add3A_302 = arith.constant 0 : i32
      %add3A_303 = arith.addi %add3A_301, %add3A_302 : i32
      %dma_wait3A_304 = arith.constant 0 : i32
      %dma_wait3A_305 = arith.constant 0 : i32
      %dma_wait3A_306 = tpu.memref_slice %arg6[%dma_wait3A_304, %dma_wait3A_305] : memref<400x128xf32, #tpu.memory_space<vmem>> -> memref<50x128xf32, #tpu.memory_space<vmem>>
      %dma_wait3A_307 = arith.constant 0 : i32
      %dma_wait3A_308 = arith.constant 0 : i32
      %dma_wait3A_309 = tpu.memref_slice %arg4[%add3A_303, %dma_wait3A_307, %dma_wait3A_308] : memref<4096x50x128xf32, #tpu.memory_space<hbm>> -> memref<1x50x128xf32, #tpu.memory_space<hbm>>
      %dma_wait3A_310 = tpu.memref_squeeze %dma_wait3A_309 : memref<1x50x128xf32, #tpu.memory_space<hbm>> -> memref<50x128xf32, #tpu.memory_space<hbm>>
      %dma_wait3A_311 = arith.constant 0 : i32
      %dma_wait3A_312 = arith.constant 0 : i32
      %dma_wait3A_313 = tpu.memref_slice %arg4[%add3A_303, %dma_wait3A_311, %dma_wait3A_312] : memref<4096x50x128xf32, #tpu.memory_space<hbm>> -> memref<1x50x128xf32, #tpu.memory_space<hbm>>
      %dma_wait3A_314 = tpu.memref_squeeze %dma_wait3A_313 : memref<1x50x128xf32, #tpu.memory_space<hbm>> -> memref<50x128xf32, #tpu.memory_space<hbm>>
      %dma_wait3A_315 = arith.constant 0 : i32
      %dma_wait3A_316 = arith.constant 0 : i32
      %dma_wait3A_317 = tpu.memref_slice %arg6[%dma_wait3A_315, %dma_wait3A_316] : memref<400x128xf32, #tpu.memory_space<vmem>> -> memref<50x128xf32, #tpu.memory_space<vmem>>
      tpu.wait_dma2 semaphore(%arg10 : memref<!tpu.dma_semaphore, #tpu.memory_space<semaphore_mem>>) src(%dma_wait3A_317 : memref<50x128xf32, #tpu.memory_space<vmem>>) dst(%dma_wait3A_314 : memref<50x128xf32, #tpu.memory_space<hbm>>)
      %add3A_318 = arith.constant 1 : i32
      %add3A_319 = arith.addi %add3A_301, %add3A_318 : i32
      %dma_wait3A_320 = arith.constant 50 : i32
      %dma_wait3A_321 = arith.constant 0 : i32
      %dma_wait3A_322 = tpu.memref_slice %arg6[%dma_wait3A_320, %dma_wait3A_321] : memref<400x128xf32, #tpu.memory_space<vmem>> -> memref<50x128xf32, #tpu.memory_space<vmem>>
      %dma_wait3A_323 = arith.constant 0 : i32
      %dma_wait3A_324 = arith.constant 0 : i32
      %dma_wait3A_325 = tpu.memref_slice %arg4[%add3A_319, %dma_wait3A_323, %dma_wait3A_324] : memref<4096x50x128xf32, #tpu.memory_space<hbm>> -> memref<1x50x128xf32, #tpu.memory_space<hbm>>
      %dma_wait3A_326 = tpu.memref_squeeze %dma_wait3A_325 : memref<1x50x128xf32, #tpu.memory_space<hbm>> -> memref<50x128xf32, #tpu.memory_space<hbm>>
      %dma_wait3A_327 = arith.constant 0 : i32
      %dma_wait3A_328 = arith.constant 0 : i32
      %dma_wait3A_329 = tpu.memref_slice %arg4[%add3A_319, %dma_wait3A_327, %dma_wait3A_328] : memref<4096x50x128xf32, #tpu.memory_space<hbm>> -> memref<1x50x128xf32, #tpu.memory_space<hbm>>
      %dma_wait3A_330 = tpu.memref_squeeze %dma_wait3A_329 : memref<1x50x128xf32, #tpu.memory_space<hbm>> -> memref<50x128xf32, #tpu.memory_space<hbm>>
      %dma_wait3A_331 = arith.constant 50 : i32
      %dma_wait3A_332 = arith.constant 0 : i32
      %dma_wait3A_333 = tpu.memref_slice %arg6[%dma_wait3A_331, %dma_wait3A_332] : memref<400x128xf32, #tpu.memory_space<vmem>> -> memref<50x128xf32, #tpu.memory_space<vmem>>
      tpu.wait_dma2 semaphore(%arg10 : memref<!tpu.dma_semaphore, #tpu.memory_space<semaphore_mem>>) src(%dma_wait3A_333 : memref<50x128xf32, #tpu.memory_space<vmem>>) dst(%dma_wait3A_330 : memref<50x128xf32, #tpu.memory_space<hbm>>)
      %add3A_334 = arith.constant 2 : i32
      %add3A_335 = arith.addi %add3A_301, %add3A_334 : i32
      %dma_wait3A_336 = arith.constant 100 : i32
      %dma_wait3A_337 = arith.constant 0 : i32
      %dma_wait3A_338 = tpu.memref_slice %arg6[%dma_wait3A_336, %dma_wait3A_337] : memref<400x128xf32, #tpu.memory_space<vmem>> -> memref<50x128xf32, #tpu.memory_space<vmem>>
      %dma_wait3A_339 = arith.constant 0 : i32
      %dma_wait3A_340 = arith.constant 0 : i32
      %dma_wait3A_341 = tpu.memref_slice %arg4[%add3A_335, %dma_wait3A_339, %dma_wait3A_340] : memref<4096x50x128xf32, #tpu.memory_space<hbm>> -> memref<1x50x128xf32, #tpu.memory_space<hbm>>
      %dma_wait3A_342 = tpu.memref_squeeze %dma_wait3A_341 : memref<1x50x128xf32, #tpu.memory_space<hbm>> -> memref<50x128xf32, #tpu.memory_space<hbm>>
      %dma_wait3A_343 = arith.constant 0 : i32
      %dma_wait3A_344 = arith.constant 0 : i32
      %dma_wait3A_345 = tpu.memref_slice %arg4[%add3A_335, %dma_wait3A_343, %dma_wait3A_344] : memref<4096x50x128xf32, #tpu.memory_space<hbm>> -> memref<1x50x128xf32, #tpu.memory_space<hbm>>
      %dma_wait3A_346 = tpu.memref_squeeze %dma_wait3A_345 : memref<1x50x128xf32, #tpu.memory_space<hbm>> -> memref<50x128xf32, #tpu.memory_space<hbm>>
      %dma_wait3A_347 = arith.constant 100 : i32
      %dma_wait3A_348 = arith.constant 0 : i32
      %dma_wait3A_349 = tpu.memref_slice %arg6[%dma_wait3A_347, %dma_wait3A_348] : memref<400x128xf32, #tpu.memory_space<vmem>> -> memref<50x128xf32, #tpu.memory_space<vmem>>
      tpu.wait_dma2 semaphore(%arg10 : memref<!tpu.dma_semaphore, #tpu.memory_space<semaphore_mem>>) src(%dma_wait3A_349 : memref<50x128xf32, #tpu.memory_space<vmem>>) dst(%dma_wait3A_346 : memref<50x128xf32, #tpu.memory_space<hbm>>)
      %add3A_350 = arith.constant 3 : i32
      %add3A_351 = arith.addi %add3A_301, %add3A_350 : i32
      %dma_wait3A_352 = arith.constant 150 : i32
      %dma_wait3A_353 = arith.constant 0 : i32
      %dma_wait3A_354 = tpu.memref_slice %arg6[%dma_wait3A_352, %dma_wait3A_353] : memref<400x128xf32, #tpu.memory_space<vmem>> -> memref<50x128xf32, #tpu.memory_space<vmem>>
      %dma_wait3A_355 = arith.constant 0 : i32
      %dma_wait3A_356 = arith.constant 0 : i32
      %dma_wait3A_357 = tpu.memref_slice %arg4[%add3A_351, %dma_wait3A_355, %dma_wait3A_356] : memref<4096x50x128xf32, #tpu.memory_space<hbm>> -> memref<1x50x128xf32, #tpu.memory_space<hbm>>
      %dma_wait3A_358 = tpu.memref_squeeze %dma_wait3A_357 : memref<1x50x128xf32, #tpu.memory_space<hbm>> -> memref<50x128xf32, #tpu.memory_space<hbm>>
      %dma_wait3A_359 = arith.constant 0 : i32
      %dma_wait3A_360 = arith.constant 0 : i32
      %dma_wait3A_361 = tpu.memref_slice %arg4[%add3A_351, %dma_wait3A_359, %dma_wait3A_360] : memref<4096x50x128xf32, #tpu.memory_space<hbm>> -> memref<1x50x128xf32, #tpu.memory_space<hbm>>
      %dma_wait3A_362 = tpu.memref_squeeze %dma_wait3A_361 : memref<1x50x128xf32, #tpu.memory_space<hbm>> -> memref<50x128xf32, #tpu.memory_space<hbm>>
      %dma_wait3A_363 = arith.constant 150 : i32
      %dma_wait3A_364 = arith.constant 0 : i32
      %dma_wait3A_365 = tpu.memref_slice %arg6[%dma_wait3A_363, %dma_wait3A_364] : memref<400x128xf32, #tpu.memory_space<vmem>> -> memref<50x128xf32, #tpu.memory_space<vmem>>
      tpu.wait_dma2 semaphore(%arg10 : memref<!tpu.dma_semaphore, #tpu.memory_space<semaphore_mem>>) src(%dma_wait3A_365 : memref<50x128xf32, #tpu.memory_space<vmem>>) dst(%dma_wait3A_362 : memref<50x128xf32, #tpu.memory_space<hbm>>)
      %add3A_366 = arith.constant 4 : i32
      %add3A_367 = arith.addi %add3A_301, %add3A_366 : i32
      %dma_wait3A_368 = arith.constant 200 : i32
      %dma_wait3A_369 = arith.constant 0 : i32
      %dma_wait3A_370 = tpu.memref_slice %arg6[%dma_wait3A_368, %dma_wait3A_369] : memref<400x128xf32, #tpu.memory_space<vmem>> -> memref<50x128xf32, #tpu.memory_space<vmem>>
      %dma_wait3A_371 = arith.constant 0 : i32
      %dma_wait3A_372 = arith.constant 0 : i32
      %dma_wait3A_373 = tpu.memref_slice %arg4[%add3A_367, %dma_wait3A_371, %dma_wait3A_372] : memref<4096x50x128xf32, #tpu.memory_space<hbm>> -> memref<1x50x128xf32, #tpu.memory_space<hbm>>
      %dma_wait3A_374 = tpu.memref_squeeze %dma_wait3A_373 : memref<1x50x128xf32, #tpu.memory_space<hbm>> -> memref<50x128xf32, #tpu.memory_space<hbm>>
      %dma_wait3A_375 = arith.constant 0 : i32
      %dma_wait3A_376 = arith.constant 0 : i32
      %dma_wait3A_377 = tpu.memref_slice %arg4[%add3A_367, %dma_wait3A_375, %dma_wait3A_376] : memref<4096x50x128xf32, #tpu.memory_space<hbm>> -> memref<1x50x128xf32, #tpu.memory_space<hbm>>
      %dma_wait3A_378 = tpu.memref_squeeze %dma_wait3A_377 : memref<1x50x128xf32, #tpu.memory_space<hbm>> -> memref<50x128xf32, #tpu.memory_space<hbm>>
      %dma_wait3A_379 = arith.constant 200 : i32
      %dma_wait3A_380 = arith.constant 0 : i32
      %dma_wait3A_381 = tpu.memref_slice %arg6[%dma_wait3A_379, %dma_wait3A_380] : memref<400x128xf32, #tpu.memory_space<vmem>> -> memref<50x128xf32, #tpu.memory_space<vmem>>
      tpu.wait_dma2 semaphore(%arg10 : memref<!tpu.dma_semaphore, #tpu.memory_space<semaphore_mem>>) src(%dma_wait3A_381 : memref<50x128xf32, #tpu.memory_space<vmem>>) dst(%dma_wait3A_378 : memref<50x128xf32, #tpu.memory_space<hbm>>)
      %add3A_382 = arith.constant 5 : i32
      %add3A_383 = arith.addi %add3A_301, %add3A_382 : i32
      %dma_wait3A_384 = arith.constant 250 : i32
      %dma_wait3A_385 = arith.constant 0 : i32
      %dma_wait3A_386 = tpu.memref_slice %arg6[%dma_wait3A_384, %dma_wait3A_385] : memref<400x128xf32, #tpu.memory_space<vmem>> -> memref<50x128xf32, #tpu.memory_space<vmem>>
      %dma_wait3A_387 = arith.constant 0 : i32
      %dma_wait3A_388 = arith.constant 0 : i32
      %dma_wait3A_389 = tpu.memref_slice %arg4[%add3A_383, %dma_wait3A_387, %dma_wait3A_388] : memref<4096x50x128xf32, #tpu.memory_space<hbm>> -> memref<1x50x128xf32, #tpu.memory_space<hbm>>
      %dma_wait3A_390 = tpu.memref_squeeze %dma_wait3A_389 : memref<1x50x128xf32, #tpu.memory_space<hbm>> -> memref<50x128xf32, #tpu.memory_space<hbm>>
      %dma_wait3A_391 = arith.constant 0 : i32
      %dma_wait3A_392 = arith.constant 0 : i32
      %dma_wait3A_393 = tpu.memref_slice %arg4[%add3A_383, %dma_wait3A_391, %dma_wait3A_392] : memref<4096x50x128xf32, #tpu.memory_space<hbm>> -> memref<1x50x128xf32, #tpu.memory_space<hbm>>
      %dma_wait3A_394 = tpu.memref_squeeze %dma_wait3A_393 : memref<1x50x128xf32, #tpu.memory_space<hbm>> -> memref<50x128xf32, #tpu.memory_space<hbm>>
      %dma_wait3A_395 = arith.constant 250 : i32
      %dma_wait3A_396 = arith.constant 0 : i32
      %dma_wait3A_397 = tpu.memref_slice %arg6[%dma_wait3A_395, %dma_wait3A_396] : memref<400x128xf32, #tpu.memory_space<vmem>> -> memref<50x128xf32, #tpu.memory_space<vmem>>
      tpu.wait_dma2 semaphore(%arg10 : memref<!tpu.dma_semaphore, #tpu.memory_space<semaphore_mem>>) src(%dma_wait3A_397 : memref<50x128xf32, #tpu.memory_space<vmem>>) dst(%dma_wait3A_394 : memref<50x128xf32, #tpu.memory_space<hbm>>)
      %add3A_398 = arith.constant 6 : i32
      %add3A_399 = arith.addi %add3A_301, %add3A_398 : i32
      %dma_wait3A_400 = arith.constant 300 : i32
      %dma_wait3A_401 = arith.constant 0 : i32
      %dma_wait3A_402 = tpu.memref_slice %arg6[%dma_wait3A_400, %dma_wait3A_401] : memref<400x128xf32, #tpu.memory_space<vmem>> -> memref<50x128xf32, #tpu.memory_space<vmem>>
      %dma_wait3A_403 = arith.constant 0 : i32
      %dma_wait3A_404 = arith.constant 0 : i32
      %dma_wait3A_405 = tpu.memref_slice %arg4[%add3A_399, %dma_wait3A_403, %dma_wait3A_404] : memref<4096x50x128xf32, #tpu.memory_space<hbm>> -> memref<1x50x128xf32, #tpu.memory_space<hbm>>
      %dma_wait3A_406 = tpu.memref_squeeze %dma_wait3A_405 : memref<1x50x128xf32, #tpu.memory_space<hbm>> -> memref<50x128xf32, #tpu.memory_space<hbm>>
      %dma_wait3A_407 = arith.constant 0 : i32
      %dma_wait3A_408 = arith.constant 0 : i32
      %dma_wait3A_409 = tpu.memref_slice %arg4[%add3A_399, %dma_wait3A_407, %dma_wait3A_408] : memref<4096x50x128xf32, #tpu.memory_space<hbm>> -> memref<1x50x128xf32, #tpu.memory_space<hbm>>
      %dma_wait3A_410 = tpu.memref_squeeze %dma_wait3A_409 : memref<1x50x128xf32, #tpu.memory_space<hbm>> -> memref<50x128xf32, #tpu.memory_space<hbm>>
      %dma_wait3A_411 = arith.constant 300 : i32
      %dma_wait3A_412 = arith.constant 0 : i32
      %dma_wait3A_413 = tpu.memref_slice %arg6[%dma_wait3A_411, %dma_wait3A_412] : memref<400x128xf32, #tpu.memory_space<vmem>> -> memref<50x128xf32, #tpu.memory_space<vmem>>
      tpu.wait_dma2 semaphore(%arg10 : memref<!tpu.dma_semaphore, #tpu.memory_space<semaphore_mem>>) src(%dma_wait3A_413 : memref<50x128xf32, #tpu.memory_space<vmem>>) dst(%dma_wait3A_410 : memref<50x128xf32, #tpu.memory_space<hbm>>)
      %add3A_414 = arith.constant 7 : i32
      %add3A_415 = arith.addi %add3A_301, %add3A_414 : i32
      %dma_wait3A_416 = arith.constant 350 : i32
      %dma_wait3A_417 = arith.constant 0 : i32
      %dma_wait3A_418 = tpu.memref_slice %arg6[%dma_wait3A_416, %dma_wait3A_417] : memref<400x128xf32, #tpu.memory_space<vmem>> -> memref<50x128xf32, #tpu.memory_space<vmem>>
      %dma_wait3A_419 = arith.constant 0 : i32
      %dma_wait3A_420 = arith.constant 0 : i32
      %dma_wait3A_421 = tpu.memref_slice %arg4[%add3A_415, %dma_wait3A_419, %dma_wait3A_420] : memref<4096x50x128xf32, #tpu.memory_space<hbm>> -> memref<1x50x128xf32, #tpu.memory_space<hbm>>
      %dma_wait3A_422 = tpu.memref_squeeze %dma_wait3A_421 : memref<1x50x128xf32, #tpu.memory_space<hbm>> -> memref<50x128xf32, #tpu.memory_space<hbm>>
      %dma_wait3A_423 = arith.constant 0 : i32
      %dma_wait3A_424 = arith.constant 0 : i32
      %dma_wait3A_425 = tpu.memref_slice %arg4[%add3A_415, %dma_wait3A_423, %dma_wait3A_424] : memref<4096x50x128xf32, #tpu.memory_space<hbm>> -> memref<1x50x128xf32, #tpu.memory_space<hbm>>
      %dma_wait3A_426 = tpu.memref_squeeze %dma_wait3A_425 : memref<1x50x128xf32, #tpu.memory_space<hbm>> -> memref<50x128xf32, #tpu.memory_space<hbm>>
      %dma_wait3A_427 = arith.constant 350 : i32
      %dma_wait3A_428 = arith.constant 0 : i32
      %dma_wait3A_429 = tpu.memref_slice %arg6[%dma_wait3A_427, %dma_wait3A_428] : memref<400x128xf32, #tpu.memory_space<vmem>> -> memref<50x128xf32, #tpu.memory_space<vmem>>
      tpu.wait_dma2 semaphore(%arg10 : memref<!tpu.dma_semaphore, #tpu.memory_space<semaphore_mem>>) src(%dma_wait3A_429 : memref<50x128xf32, #tpu.memory_space<vmem>>) dst(%dma_wait3A_426 : memref<50x128xf32, #tpu.memory_space<hbm>>)
      %add3A_430 = arith.constant 2 : i32
      %add3A_431 = arith.addi %mul3A_21, %add3A_430 : i32
      %lt3A = arith.constant 16 : i32
      %lt3A_432 = arith.cmpi slt, %add3A_431, %lt3A : i32
      %convert_element_type3A = arith.extui %lt3A_432 : i1 to i32
      %cond3A = arith.constant 0 : i32
      %cond3A_433 = arith.cmpi ne, %convert_element_type3A, %cond3A : i32
      scf.if %cond3A_433 {
        %add3A_574 = arith.constant 2 : i32
        %add3A_575 = arith.addi %mul3A_21, %add3A_574 : i32
        %mul3A_576 = arith.constant 400 : i32
        %mul3A_577 = arith.muli %add3A_575, %mul3A_576 : i32
        %dma_start3A_578 = tpu.memref_slice %arg5[%mul3A_577] : memref<6400xi32, #tpu.memory_space<vmem>> -> memref<400xi32, #tpu.memory_space<vmem>>
        %dma_start3A_579 = arith.constant 0 : i32
        %dma_start3A_580 = arith.constant 0 : i32
        %dma_start3A_581 = tpu.memref_slice %arg3[%dma_start3A_579, %dma_start3A_580] : memref<100000x128xf32, #tpu.memory_space<hbm>> -> memref<100000x128xf32, #tpu.memory_space<hbm>>
        tpu.enqueue_indirect_dma source(%dma_start3A_581 : memref<100000x128xf32, #tpu.memory_space<hbm>>) target(%arg6 : memref<400x128xf32, #tpu.memory_space<vmem>>) offsets(%dma_start3A_578 : memref<400xi32, #tpu.memory_space<vmem>>) semaphore(%arg8 : memref<!tpu.dma_semaphore, #tpu.memory_space<semaphore_mem>>)
      } else {
      }
      %add3A_434 = arith.constant 1 : i32
      %add3A_435 = arith.addi %mul3A_21, %add3A_434 : i32
      %mul3A_436 = arith.constant 8 : i32
      %mul3A_437 = arith.muli %add3A_435, %mul3A_436 : i32
      %add3A_438 = arith.addi %mul3A_4, %mul3A_437 : i32
      %add3A_439 = arith.constant 0 : i32
      %add3A_440 = arith.addi %add3A_438, %add3A_439 : i32
      %dma_wait3A_441 = arith.constant 0 : i32
      %dma_wait3A_442 = arith.constant 0 : i32
      %dma_wait3A_443 = tpu.memref_slice %arg7[%dma_wait3A_441, %dma_wait3A_442] : memref<400x128xf32, #tpu.memory_space<vmem>> -> memref<50x128xf32, #tpu.memory_space<vmem>>
      %dma_wait3A_444 = arith.constant 0 : i32
      %dma_wait3A_445 = arith.constant 0 : i32
      %dma_wait3A_446 = tpu.memref_slice %arg4[%add3A_440, %dma_wait3A_444, %dma_wait3A_445] : memref<4096x50x128xf32, #tpu.memory_space<hbm>> -> memref<1x50x128xf32, #tpu.memory_space<hbm>>
      %dma_wait3A_447 = tpu.memref_squeeze %dma_wait3A_446 : memref<1x50x128xf32, #tpu.memory_space<hbm>> -> memref<50x128xf32, #tpu.memory_space<hbm>>
      %dma_wait3A_448 = arith.constant 0 : i32
      %dma_wait3A_449 = arith.constant 0 : i32
      %dma_wait3A_450 = tpu.memref_slice %arg4[%add3A_440, %dma_wait3A_448, %dma_wait3A_449] : memref<4096x50x128xf32, #tpu.memory_space<hbm>> -> memref<1x50x128xf32, #tpu.memory_space<hbm>>
      %dma_wait3A_451 = tpu.memref_squeeze %dma_wait3A_450 : memref<1x50x128xf32, #tpu.memory_space<hbm>> -> memref<50x128xf32, #tpu.memory_space<hbm>>
      %dma_wait3A_452 = arith.constant 0 : i32
      %dma_wait3A_453 = arith.constant 0 : i32
      %dma_wait3A_454 = tpu.memref_slice %arg7[%dma_wait3A_452, %dma_wait3A_453] : memref<400x128xf32, #tpu.memory_space<vmem>> -> memref<50x128xf32, #tpu.memory_space<vmem>>
      tpu.wait_dma2 semaphore(%arg11 : memref<!tpu.dma_semaphore, #tpu.memory_space<semaphore_mem>>) src(%dma_wait3A_454 : memref<50x128xf32, #tpu.memory_space<vmem>>) dst(%dma_wait3A_451 : memref<50x128xf32, #tpu.memory_space<hbm>>)
      %add3A_455 = arith.constant 1 : i32
      %add3A_456 = arith.addi %add3A_438, %add3A_455 : i32
      %dma_wait3A_457 = arith.constant 50 : i32
      %dma_wait3A_458 = arith.constant 0 : i32
      %dma_wait3A_459 = tpu.memref_slice %arg7[%dma_wait3A_457, %dma_wait3A_458] : memref<400x128xf32, #tpu.memory_space<vmem>> -> memref<50x128xf32, #tpu.memory_space<vmem>>
      %dma_wait3A_460 = arith.constant 0 : i32
      %dma_wait3A_461 = arith.constant 0 : i32
      %dma_wait3A_462 = tpu.memref_slice %arg4[%add3A_456, %dma_wait3A_460, %dma_wait3A_461] : memref<4096x50x128xf32, #tpu.memory_space<hbm>> -> memref<1x50x128xf32, #tpu.memory_space<hbm>>
      %dma_wait3A_463 = tpu.memref_squeeze %dma_wait3A_462 : memref<1x50x128xf32, #tpu.memory_space<hbm>> -> memref<50x128xf32, #tpu.memory_space<hbm>>
      %dma_wait3A_464 = arith.constant 0 : i32
      %dma_wait3A_465 = arith.constant 0 : i32
      %dma_wait3A_466 = tpu.memref_slice %arg4[%add3A_456, %dma_wait3A_464, %dma_wait3A_465] : memref<4096x50x128xf32, #tpu.memory_space<hbm>> -> memref<1x50x128xf32, #tpu.memory_space<hbm>>
      %dma_wait3A_467 = tpu.memref_squeeze %dma_wait3A_466 : memref<1x50x128xf32, #tpu.memory_space<hbm>> -> memref<50x128xf32, #tpu.memory_space<hbm>>
      %dma_wait3A_468 = arith.constant 50 : i32
      %dma_wait3A_469 = arith.constant 0 : i32
      %dma_wait3A_470 = tpu.memref_slice %arg7[%dma_wait3A_468, %dma_wait3A_469] : memref<400x128xf32, #tpu.memory_space<vmem>> -> memref<50x128xf32, #tpu.memory_space<vmem>>
      tpu.wait_dma2 semaphore(%arg11 : memref<!tpu.dma_semaphore, #tpu.memory_space<semaphore_mem>>) src(%dma_wait3A_470 : memref<50x128xf32, #tpu.memory_space<vmem>>) dst(%dma_wait3A_467 : memref<50x128xf32, #tpu.memory_space<hbm>>)
      %add3A_471 = arith.constant 2 : i32
      %add3A_472 = arith.addi %add3A_438, %add3A_471 : i32
      %dma_wait3A_473 = arith.constant 100 : i32
      %dma_wait3A_474 = arith.constant 0 : i32
      %dma_wait3A_475 = tpu.memref_slice %arg7[%dma_wait3A_473, %dma_wait3A_474] : memref<400x128xf32, #tpu.memory_space<vmem>> -> memref<50x128xf32, #tpu.memory_space<vmem>>
      %dma_wait3A_476 = arith.constant 0 : i32
      %dma_wait3A_477 = arith.constant 0 : i32
      %dma_wait3A_478 = tpu.memref_slice %arg4[%add3A_472, %dma_wait3A_476, %dma_wait3A_477] : memref<4096x50x128xf32, #tpu.memory_space<hbm>> -> memref<1x50x128xf32, #tpu.memory_space<hbm>>
      %dma_wait3A_479 = tpu.memref_squeeze %dma_wait3A_478 : memref<1x50x128xf32, #tpu.memory_space<hbm>> -> memref<50x128xf32, #tpu.memory_space<hbm>>
      %dma_wait3A_480 = arith.constant 0 : i32
      %dma_wait3A_481 = arith.constant 0 : i32
      %dma_wait3A_482 = tpu.memref_slice %arg4[%add3A_472, %dma_wait3A_480, %dma_wait3A_481] : memref<4096x50x128xf32, #tpu.memory_space<hbm>> -> memref<1x50x128xf32, #tpu.memory_space<hbm>>
      %dma_wait3A_483 = tpu.memref_squeeze %dma_wait3A_482 : memref<1x50x128xf32, #tpu.memory_space<hbm>> -> memref<50x128xf32, #tpu.memory_space<hbm>>
      %dma_wait3A_484 = arith.constant 100 : i32
      %dma_wait3A_485 = arith.constant 0 : i32
      %dma_wait3A_486 = tpu.memref_slice %arg7[%dma_wait3A_484, %dma_wait3A_485] : memref<400x128xf32, #tpu.memory_space<vmem>> -> memref<50x128xf32, #tpu.memory_space<vmem>>
      tpu.wait_dma2 semaphore(%arg11 : memref<!tpu.dma_semaphore, #tpu.memory_space<semaphore_mem>>) src(%dma_wait3A_486 : memref<50x128xf32, #tpu.memory_space<vmem>>) dst(%dma_wait3A_483 : memref<50x128xf32, #tpu.memory_space<hbm>>)
      %add3A_487 = arith.constant 3 : i32
      %add3A_488 = arith.addi %add3A_438, %add3A_487 : i32
      %dma_wait3A_489 = arith.constant 150 : i32
      %dma_wait3A_490 = arith.constant 0 : i32
      %dma_wait3A_491 = tpu.memref_slice %arg7[%dma_wait3A_489, %dma_wait3A_490] : memref<400x128xf32, #tpu.memory_space<vmem>> -> memref<50x128xf32, #tpu.memory_space<vmem>>
      %dma_wait3A_492 = arith.constant 0 : i32
      %dma_wait3A_493 = arith.constant 0 : i32
      %dma_wait3A_494 = tpu.memref_slice %arg4[%add3A_488, %dma_wait3A_492, %dma_wait3A_493] : memref<4096x50x128xf32, #tpu.memory_space<hbm>> -> memref<1x50x128xf32, #tpu.memory_space<hbm>>
      %dma_wait3A_495 = tpu.memref_squeeze %dma_wait3A_494 : memref<1x50x128xf32, #tpu.memory_space<hbm>> -> memref<50x128xf32, #tpu.memory_space<hbm>>
      %dma_wait3A_496 = arith.constant 0 : i32
      %dma_wait3A_497 = arith.constant 0 : i32
      %dma_wait3A_498 = tpu.memref_slice %arg4[%add3A_488, %dma_wait3A_496, %dma_wait3A_497] : memref<4096x50x128xf32, #tpu.memory_space<hbm>> -> memref<1x50x128xf32, #tpu.memory_space<hbm>>
      %dma_wait3A_499 = tpu.memref_squeeze %dma_wait3A_498 : memref<1x50x128xf32, #tpu.memory_space<hbm>> -> memref<50x128xf32, #tpu.memory_space<hbm>>
      %dma_wait3A_500 = arith.constant 150 : i32
      %dma_wait3A_501 = arith.constant 0 : i32
      %dma_wait3A_502 = tpu.memref_slice %arg7[%dma_wait3A_500, %dma_wait3A_501] : memref<400x128xf32, #tpu.memory_space<vmem>> -> memref<50x128xf32, #tpu.memory_space<vmem>>
      tpu.wait_dma2 semaphore(%arg11 : memref<!tpu.dma_semaphore, #tpu.memory_space<semaphore_mem>>) src(%dma_wait3A_502 : memref<50x128xf32, #tpu.memory_space<vmem>>) dst(%dma_wait3A_499 : memref<50x128xf32, #tpu.memory_space<hbm>>)
      %add3A_503 = arith.constant 4 : i32
      %add3A_504 = arith.addi %add3A_438, %add3A_503 : i32
      %dma_wait3A_505 = arith.constant 200 : i32
      %dma_wait3A_506 = arith.constant 0 : i32
      %dma_wait3A_507 = tpu.memref_slice %arg7[%dma_wait3A_505, %dma_wait3A_506] : memref<400x128xf32, #tpu.memory_space<vmem>> -> memref<50x128xf32, #tpu.memory_space<vmem>>
      %dma_wait3A_508 = arith.constant 0 : i32
      %dma_wait3A_509 = arith.constant 0 : i32
      %dma_wait3A_510 = tpu.memref_slice %arg4[%add3A_504, %dma_wait3A_508, %dma_wait3A_509] : memref<4096x50x128xf32, #tpu.memory_space<hbm>> -> memref<1x50x128xf32, #tpu.memory_space<hbm>>
      %dma_wait3A_511 = tpu.memref_squeeze %dma_wait3A_510 : memref<1x50x128xf32, #tpu.memory_space<hbm>> -> memref<50x128xf32, #tpu.memory_space<hbm>>
      %dma_wait3A_512 = arith.constant 0 : i32
      %dma_wait3A_513 = arith.constant 0 : i32
      %dma_wait3A_514 = tpu.memref_slice %arg4[%add3A_504, %dma_wait3A_512, %dma_wait3A_513] : memref<4096x50x128xf32, #tpu.memory_space<hbm>> -> memref<1x50x128xf32, #tpu.memory_space<hbm>>
      %dma_wait3A_515 = tpu.memref_squeeze %dma_wait3A_514 : memref<1x50x128xf32, #tpu.memory_space<hbm>> -> memref<50x128xf32, #tpu.memory_space<hbm>>
      %dma_wait3A_516 = arith.constant 200 : i32
      %dma_wait3A_517 = arith.constant 0 : i32
      %dma_wait3A_518 = tpu.memref_slice %arg7[%dma_wait3A_516, %dma_wait3A_517] : memref<400x128xf32, #tpu.memory_space<vmem>> -> memref<50x128xf32, #tpu.memory_space<vmem>>
      tpu.wait_dma2 semaphore(%arg11 : memref<!tpu.dma_semaphore, #tpu.memory_space<semaphore_mem>>) src(%dma_wait3A_518 : memref<50x128xf32, #tpu.memory_space<vmem>>) dst(%dma_wait3A_515 : memref<50x128xf32, #tpu.memory_space<hbm>>)
      %add3A_519 = arith.constant 5 : i32
      %add3A_520 = arith.addi %add3A_438, %add3A_519 : i32
      %dma_wait3A_521 = arith.constant 250 : i32
      %dma_wait3A_522 = arith.constant 0 : i32
      %dma_wait3A_523 = tpu.memref_slice %arg7[%dma_wait3A_521, %dma_wait3A_522] : memref<400x128xf32, #tpu.memory_space<vmem>> -> memref<50x128xf32, #tpu.memory_space<vmem>>
      %dma_wait3A_524 = arith.constant 0 : i32
      %dma_wait3A_525 = arith.constant 0 : i32
      %dma_wait3A_526 = tpu.memref_slice %arg4[%add3A_520, %dma_wait3A_524, %dma_wait3A_525] : memref<4096x50x128xf32, #tpu.memory_space<hbm>> -> memref<1x50x128xf32, #tpu.memory_space<hbm>>
      %dma_wait3A_527 = tpu.memref_squeeze %dma_wait3A_526 : memref<1x50x128xf32, #tpu.memory_space<hbm>> -> memref<50x128xf32, #tpu.memory_space<hbm>>
      %dma_wait3A_528 = arith.constant 0 : i32
      %dma_wait3A_529 = arith.constant 0 : i32
      %dma_wait3A_530 = tpu.memref_slice %arg4[%add3A_520, %dma_wait3A_528, %dma_wait3A_529] : memref<4096x50x128xf32, #tpu.memory_space<hbm>> -> memref<1x50x128xf32, #tpu.memory_space<hbm>>
      %dma_wait3A_531 = tpu.memref_squeeze %dma_wait3A_530 : memref<1x50x128xf32, #tpu.memory_space<hbm>> -> memref<50x128xf32, #tpu.memory_space<hbm>>
      %dma_wait3A_532 = arith.constant 250 : i32
      %dma_wait3A_533 = arith.constant 0 : i32
      %dma_wait3A_534 = tpu.memref_slice %arg7[%dma_wait3A_532, %dma_wait3A_533] : memref<400x128xf32, #tpu.memory_space<vmem>> -> memref<50x128xf32, #tpu.memory_space<vmem>>
      tpu.wait_dma2 semaphore(%arg11 : memref<!tpu.dma_semaphore, #tpu.memory_space<semaphore_mem>>) src(%dma_wait3A_534 : memref<50x128xf32, #tpu.memory_space<vmem>>) dst(%dma_wait3A_531 : memref<50x128xf32, #tpu.memory_space<hbm>>)
      %add3A_535 = arith.constant 6 : i32
      %add3A_536 = arith.addi %add3A_438, %add3A_535 : i32
      %dma_wait3A_537 = arith.constant 300 : i32
      %dma_wait3A_538 = arith.constant 0 : i32
      %dma_wait3A_539 = tpu.memref_slice %arg7[%dma_wait3A_537, %dma_wait3A_538] : memref<400x128xf32, #tpu.memory_space<vmem>> -> memref<50x128xf32, #tpu.memory_space<vmem>>
      %dma_wait3A_540 = arith.constant 0 : i32
      %dma_wait3A_541 = arith.constant 0 : i32
      %dma_wait3A_542 = tpu.memref_slice %arg4[%add3A_536, %dma_wait3A_540, %dma_wait3A_541] : memref<4096x50x128xf32, #tpu.memory_space<hbm>> -> memref<1x50x128xf32, #tpu.memory_space<hbm>>
      %dma_wait3A_543 = tpu.memref_squeeze %dma_wait3A_542 : memref<1x50x128xf32, #tpu.memory_space<hbm>> -> memref<50x128xf32, #tpu.memory_space<hbm>>
      %dma_wait3A_544 = arith.constant 0 : i32
      %dma_wait3A_545 = arith.constant 0 : i32
      %dma_wait3A_546 = tpu.memref_slice %arg4[%add3A_536, %dma_wait3A_544, %dma_wait3A_545] : memref<4096x50x128xf32, #tpu.memory_space<hbm>> -> memref<1x50x128xf32, #tpu.memory_space<hbm>>
      %dma_wait3A_547 = tpu.memref_squeeze %dma_wait3A_546 : memref<1x50x128xf32, #tpu.memory_space<hbm>> -> memref<50x128xf32, #tpu.memory_space<hbm>>
      %dma_wait3A_548 = arith.constant 300 : i32
      %dma_wait3A_549 = arith.constant 0 : i32
      %dma_wait3A_550 = tpu.memref_slice %arg7[%dma_wait3A_548, %dma_wait3A_549] : memref<400x128xf32, #tpu.memory_space<vmem>> -> memref<50x128xf32, #tpu.memory_space<vmem>>
      tpu.wait_dma2 semaphore(%arg11 : memref<!tpu.dma_semaphore, #tpu.memory_space<semaphore_mem>>) src(%dma_wait3A_550 : memref<50x128xf32, #tpu.memory_space<vmem>>) dst(%dma_wait3A_547 : memref<50x128xf32, #tpu.memory_space<hbm>>)
      %add3A_551 = arith.constant 7 : i32
      %add3A_552 = arith.addi %add3A_438, %add3A_551 : i32
      %dma_wait3A_553 = arith.constant 350 : i32
      %dma_wait3A_554 = arith.constant 0 : i32
      %dma_wait3A_555 = tpu.memref_slice %arg7[%dma_wait3A_553, %dma_wait3A_554] : memref<400x128xf32, #tpu.memory_space<vmem>> -> memref<50x128xf32, #tpu.memory_space<vmem>>
      %dma_wait3A_556 = arith.constant 0 : i32
      %dma_wait3A_557 = arith.constant 0 : i32
      %dma_wait3A_558 = tpu.memref_slice %arg4[%add3A_552, %dma_wait3A_556, %dma_wait3A_557] : memref<4096x50x128xf32, #tpu.memory_space<hbm>> -> memref<1x50x128xf32, #tpu.memory_space<hbm>>
      %dma_wait3A_559 = tpu.memref_squeeze %dma_wait3A_558 : memref<1x50x128xf32, #tpu.memory_space<hbm>> -> memref<50x128xf32, #tpu.memory_space<hbm>>
      %dma_wait3A_560 = arith.constant 0 : i32
      %dma_wait3A_561 = arith.constant 0 : i32
      %dma_wait3A_562 = tpu.memref_slice %arg4[%add3A_552, %dma_wait3A_560, %dma_wait3A_561] : memref<4096x50x128xf32, #tpu.memory_space<hbm>> -> memref<1x50x128xf32, #tpu.memory_space<hbm>>
      %dma_wait3A_563 = tpu.memref_squeeze %dma_wait3A_562 : memref<1x50x128xf32, #tpu.memory_space<hbm>> -> memref<50x128xf32, #tpu.memory_space<hbm>>
      %dma_wait3A_564 = arith.constant 350 : i32
      %dma_wait3A_565 = arith.constant 0 : i32
      %dma_wait3A_566 = tpu.memref_slice %arg7[%dma_wait3A_564, %dma_wait3A_565] : memref<400x128xf32, #tpu.memory_space<vmem>> -> memref<50x128xf32, #tpu.memory_space<vmem>>
      tpu.wait_dma2 semaphore(%arg11 : memref<!tpu.dma_semaphore, #tpu.memory_space<semaphore_mem>>) src(%dma_wait3A_566 : memref<50x128xf32, #tpu.memory_space<vmem>>) dst(%dma_wait3A_563 : memref<50x128xf32, #tpu.memory_space<hbm>>)
      %add3A_567 = arith.constant 3 : i32
      %add3A_568 = arith.addi %mul3A_21, %add3A_567 : i32
      %lt3A_569 = arith.constant 16 : i32
      %lt3A_570 = arith.cmpi slt, %add3A_568, %lt3A_569 : i32
      %convert_element_type3A_571 = arith.extui %lt3A_570 : i1 to i32
      %cond3A_572 = arith.constant 0 : i32
      %cond3A_573 = arith.cmpi ne, %convert_element_type3A_571, %cond3A_572 : i32
      scf.if %cond3A_573 {
        %add3A_574 = arith.constant 3 : i32
        %add3A_575 = arith.addi %mul3A_21, %add3A_574 : i32
        %mul3A_576 = arith.constant 400 : i32
        %mul3A_577 = arith.muli %add3A_575, %mul3A_576 : i32
        %dma_start3A_578 = tpu.memref_slice %arg5[%mul3A_577] : memref<6400xi32, #tpu.memory_space<vmem>> -> memref<400xi32, #tpu.memory_space<vmem>>
        %dma_start3A_579 = arith.constant 0 : i32
        %dma_start3A_580 = arith.constant 0 : i32
        %dma_start3A_581 = tpu.memref_slice %arg3[%dma_start3A_579, %dma_start3A_580] : memref<100000x128xf32, #tpu.memory_space<hbm>> -> memref<100000x128xf32, #tpu.memory_space<hbm>>
        tpu.enqueue_indirect_dma source(%dma_start3A_581 : memref<100000x128xf32, #tpu.memory_space<hbm>>) target(%arg7 : memref<400x128xf32, #tpu.memory_space<vmem>>) offsets(%dma_start3A_578 : memref<400xi32, #tpu.memory_space<vmem>>) semaphore(%arg9 : memref<!tpu.dma_semaphore, #tpu.memory_space<semaphore_mem>>)
      } else {
      }
    }
    %scan3A_18 = arith.constant 8 : i32
    return
  }
}

</mosaic_0001>

<sc_bundles>
// kernel: kernel.3.cloned.1.call-start
scs
__scs_entry_jumppad:
0x0: {  	(pc) =	sbr.rel $0x88, $3  }
0x1: {  	(tag) =	ssettag $0x0;
	lr =	simm.s32 $0x1  }
0x2: {  	[smem:$0x3F9F] =	sst lr;
	_ =	strace $0xD0000000  }
0x3: {  	_ = 	snop  }
0x4: {  	_ = 	snop  }
0x5: {  	_ = 	snop  }
0x6: {  	_ = 	snop  }
0x7: {  	_ = 	snop  }
__scs_overlays_trampoline_lowered:
0x8: {  	[smem:$0x3FAE] =	sst s0  }
0x9: {  	[smem:$0x3FAF] =	sst s1  }
0xa: {  	[smem:$0x3FB0] =	sst s2  }
0xb: {  	[smem:$0x3FB1] =	sst s3  }
0xc: {  	[smem:$0x3FB2] =	sst s4  }
0xd: {  	[smem:$0x3FB3] =	sst s5  }
0xe: {  	[smem:$0x3FB4] =	sst s6  }
0xf: {  	[smem:$0x3FB5] =	sst s7  }
0x10: {  	[smem:$0x3FB6] =	sst s8  }
0x11: {  	[smem:$0x3FB7] =	sst s9;
	s0 =	simm.s32 @!p0 $0x0  }
0x12: {  	s1 =	sld [smem:$0x3F9D];
	s0 =	simm.s32 @p0 $0x1  }
0x13: {  	[smem:$0x3FB8] =	sst s0;
	s0 =	simm.s32 @!p1 $0x0  }
0x14: {  	s2 =	sld [smem:$0x3F9C];
	s0 =	simm.s32 @p1 $0x1  }
0x15: {  	[smem:$0x3FB9] =	sst s0;
	s0 =	simm.s32 @!p2 $0x0  }
0x16: {  	s3 =	sld [smem:$0x3FDB];
	s0 =	simm.s32 @p2 $0x1  }
0x17: {  	s4 =	simm.s32 $0x1BF5;
	[smem:$0x3FBB] =	sst s0  }
0x18: {  	s0 =	sld [smem:$0x3F9E];
	_ =	swait.ge [sflag:s4], $0x0  }
0x19: {  	s7 =	sld [smem:$0x3F9F]  }
0x1a: {  	s8 =	sadd.s32 $0xFFFFE003, lr  }
0x1b: {  	s9 =	sadd.s32 $0xFFFFFEF7, lr;
	s5 =	simm.s32 $0xFFFFFFFF;
	p2 =	slt.u32 s8, $0xFFFFF086  }
0x1c: {  	p1 =	slt.u32 s9, $0xF7A;
	s5 =	simm.s32 @!p2 $0x0  }
0x1d: {  	s5 =	simm.s32 @p1 $0x1;
	p0 =	seq.s32 s7, s2  }
0x1e: {  	s7 =	smul.u32 @!p0 $0xF7A, s2;
	p2 =	seq.s32 @!p0 s5, $0x0  }
0x1f: {  	s9 =	smul.u32 $0xF7A, s1;
	s8 =	simm.s32 @!p0 $0x1BF5;
	p2 =	por !p2, p0  }
0x20: {  	[sflag:s8] =	ssyncset.s32 @!p0 $0xFFFFF086;
	s6 =	sadd.s32 @!p0 s3, s7;
	s7 =	simm.s32 @!p0 $0x108  }
0x21: {  	s3 =	sadd.s32 s3, s9;
	s6 =	sadd.s32 @!p0 $0x88, s6;
	s7 =	simm.s32 @p2 $0x1082  }
0x22: {  	[simem:s7], [sflag:s8] =	dma.local @!p0 [hbm:s6], $0xF7A  }
0x23: {  	s9 =	sor.u32 $0xD0000000, s2;
	s6 =	simm.s32 $0x108;
	_ =	swait.ge @!p0 [sflag:s8], $0x0  }
0x24: {  	s3 =	sadd.s32 $0x88, s3;
	s6 =	simm.s32 @!p1 $0x1082;
	[sflag:s4] =	ssyncset.s32 $0xFFFFF086  }
0x25: {  	[simem:s6], [sflag:s4] =	dma.local [hbm:s3], $0xF7A  }
0x26: {  	[smem:$0x3F9F] =	sst s1;
	(tag) =	ssettag s2;
	_ =	strace s9  }
0x27: {  	s1 =	sld [smem:$0x3FAF]  }
0x28: {  	s2 =	sld [smem:$0x3FB0]  }
0x29: {  	s4 =	sld [smem:$0x3FB2]  }
0x2a: {  	p0 =	seq.s32 s5, $0x0;
	s5 =	sld [smem:$0x3FB3]  }
0x2b: {  	s6 =	sld [smem:$0x3FB4]  }
0x2c: {  	s7 =	sld [smem:$0x3FB5]  }
0x2d: {  	s3 =	simm.s32 $0x108;
	s8 =	sld [smem:$0x3FB6]  }
0x2e: {  	s3 =	simm.s32 @!p0 $0x1082;
	s9 =	sld [smem:$0x3FB7]  }
0x2f: {  	lr =	sadd.s32 s0, s3;
	s0 =	sld [smem:$0x3FAE]  }
0x30: {  	s3 =	sld [smem:$0x3FB1]  }
0x31: {  	[smem:$0x3FBA] =	sst s10  }
0x32: {  	s10 =	sld [smem:$0x3FB8];
	_ =	sdelay $0x3  }
0x33: {  	p0 =	seq.s32 s10, $0x1;
	s10 =	sld [smem:$0x3FBA];
	_ =	sdelay $0x3  }
0x34: {  	[smem:$0x3FBA] =	sst s10  }
0x35: {  	s10 =	sld [smem:$0x3FB9];
	_ =	sdelay $0x3  }
0x36: {  	p1 =	seq.s32 s10, $0x1;
	s10 =	sld [smem:$0x3FBA];
	_ =	sdelay $0x3  }
0x37: {  	[smem:$0x3FBA] =	sst s10  }
0x38: {  	s10 =	sld [smem:$0x3FBB]  }
0x39: {  	_ = 	snop;
	(pc) =	sbr.ind lr, $3  }
0x3a: {  	_ = 	snop  }
0x3b: {  	_ = 	snop  }
0x3c: {  	p2 =	seq.s32 s10, $0x1;
	s10 =	sld [smem:$0x3FBA]  }
0x3d: {  	_ =	shalt  }
0x3e: {  	_ =	shalt  }
0x3f: {  	_ =	shalt  }
0x40: {  	_ =	shalt  }
0x41: {  	_ =	shalt  }
0x42: {  	_ =	shalt  }
0x43: {  	_ =	shalt  }
0x44: {  	_ =	shalt  }
0x45: {  	_ =	shalt  }
0x46: {  	_ =	shalt  }
0x47: {  	_ =	shalt  }
0x48: {  	_ =	shalt  }
0x49: {  	_ =	shalt  }
0x4a: {  	_ =	shalt  }
0x4b: {  	_ =	shalt  }
0x4c: {  	_ =	shalt  }
0x4d: {  	_ =	shalt  }
0x4e: {  	_ =	shalt  }
0x4f: {  	_ =	shalt  }
0x50: {  	_ =	shalt  }
0x51: {  	_ =	shalt  }
0x52: {  	_ =	shalt  }
0x53: {  	_ =	shalt  }
0x54: {  	_ =	shalt  }
0x55: {  	_ =	shalt  }
0x56: {  	_ =	shalt  }
0x57: {  	_ =	shalt  }
0x58: {  	_ =	shalt  }
0x59: {  	_ =	shalt  }
0x5a: {  	_ =	shalt  }
0x5b: {  	_ =	shalt  }
0x5c: {  	_ =	shalt  }
0x5d: {  	_ =	shalt  }
0x5e: {  	_ =	shalt  }
0x5f: {  	_ =	shalt  }
0x60: {  	_ =	shalt  }
0x61: {  	_ =	shalt  }
0x62: {  	_ =	shalt  }
0x63: {  	_ =	shalt  }
0x64: {  	_ =	shalt  }
0x65: {  	_ =	shalt  }
0x66: {  	_ =	shalt  }
0x67: {  	_ =	shalt  }
0x68: {  	_ =	shalt  }
0x69: {  	_ =	shalt  }
0x6a: {  	_ =	shalt  }
0x6b: {  	_ =	shalt  }
0x6c: {  	_ =	shalt  }
0x6d: {  	_ =	shalt  }
0x6e: {  	_ =	shalt  }
0x6f: {  	_ =	shalt  }
0x70: {  	_ =	shalt  }
0x71: {  	_ =	shalt  }
0x72: {  	_ =	shalt  }
0x73: {  	_ =	shalt  }
0x74: {  	_ =	shalt  }
0x75: {  	_ =	shalt  }
0x76: {  	_ =	shalt  }
0x77: {  	_ =	shalt  }
0x78: {  	_ =	shalt  }
0x79: {  	_ =	shalt  }
0x7a: {  	_ =	shalt  }
0x7b: {  	_ =	shalt  }
0x7c: {  	_ =	shalt  }
0x7d: {  	_ =	shalt  }
0x7e: {  	_ =	shalt  }
0x7f: {  	_ =	shalt  }
0x80: {  	_ =	shalt  }
0x81: {  	_ =	shalt  }
0x82: {  	_ =	shalt  }
0x83: {  	_ =	shalt  }
0x84: {  	_ =	shalt  }
0x85: {  	_ =	shalt  }
0x86: {  	_ =	shalt  }
0x87: {  	_ =	shalt  }
.Lfunc_end0:
.L_simem_size_0:
called_computation_lowered:
.L_overlay_start_0:
0x88: {  	s2 =	sld [smem:$0x3FD9]  }
0x89: {  	s3 =	sld [smem:$0x3FFE];
	_ =	sdelay $0x1  }
0x8a: {  	s1 =	srdreg.scid  }
0x8b: {  	s0 =	sand.u32 $0x1, s1  }
0x8c: {  	s17 =	sshll.u32 s0, $0xA;
	s2 =	sadd.s32 s3, s2  }
0x8d: {  	s2 =	sadd.s32 s2, s17  }
0x8e: {  	[smem:$0x3FC6] =	sst s2  }
0x8f: {  	_ = 	snop  }
0x90: {  	s2 =	sld [smem:$0x3FC8]  }
0x91: {  	s18 =	sld [smem:$0x3FD0];
	(tm) =	ssettm $0x1  }
0x92: {  	s4 =	sld [smem:$0x3FFB];
	_ =	sdelay $0x3  }
0x93: {  	_ =	strace s4  }
0x94: {  	s4 =	sld [smem:$0x3FFC];
	_ =	sdelay $0x3  }
0x95: {  	_ =	strace s4  }
0x96: {  	s4 =	sld [smem:$0x3FFD];
	_ =	sdelay $0x3  }
0x97: {  	_ =	strace s4  }
0x98: {  	_ =	strace $0x8FFFFFFF  }
0x99: {  	s19 =	sld [smem:$0x3FDB];
	_ =	sdelay $0x1  }
0x9a: {  	s5 =	simm.s32 $_scs_section_size  }
0x9b: {  	s6 =	simm.s32 $_size__tile_overlayer_lowered;
	s7 =	simm.s32 $_tile_overlayer_lowered  }
0x9c: {  	s22 =	simm.s32 $0x1BFF;
	s21 =	sshll.u32 s7, $0x1;
	s4 =	sadd.s32 s5, s19  }
0x9d: {  	s8 =	simm.s32 $0x0;
	s20 =	sshll.u32 s6, $0x1;
	s6 =	sadd.s32 s21, s4  }
0x9e: {  	[timem:s8], [sflag:s22] =	dma.local [hbm:s6], s20  }
0x9f: {  	_ =	swait.ge [sflag:s22], s20  }
0xa0: {  	s5 =	ssub.s32 $0x0, s20;
	[sflag:s22] =	ssyncset.done $0x0  }
0xa1: {  	[sflag:s22] =	ssyncadd.s32 s5;
	_ =	sdelay $0x1  }
0xa2: {  	s23 =	simm.s32 $0x1B8B  }
0xa3: {  	_ =	swait.ge [sflag:s23], $0x1  }
0xa4: {  	[sflag:s23] =	ssyncset.done $0x0  }
0xa5: {  	s25 =	simm.s32 $0x1B8E;
	s24 =	sld [smem:$0x3FFE];
	[sflag:s23] =	ssyncadd.s32 $0xFFFFFFFF  }
0xa6: {  	s26 =	simm.s32 $execute0_lowered;
	[smem:$0x3FD2] =	sst s25  }
0xa7: {  	s6 =	sshll.u32 s26, $0x1;
	_ =	strace $0x80000046;
	[dreg:$0x1] =	wrdreg $0xFFFFFFFF  }
0xa8: {  	s28 =	simm.s32 $_size_execute0_lowered;
	s4 =	sadd.s32 s4, s6;
	[dreg:$0x0] =	wrdreg $0x0  }
0xa9: {  	s6 =	sshll.u32 s28, $0x1;
	[dreg:$0x2] =	wrdreg s4  }
0xaa: {  	[dreg:$0x3] =	wrdreg s6  }
0xab: {  	[dreg:$0x4] =	wrdreg $0xC0  }
0xac: {  	_ =	task [dreg:s8], $0x5FFFF  }
0xad: {  	[dreg:$0x1] =	wrdreg $0xFFFFFFFF  }
0xae: {  	[dreg:$0x0] =	wrdreg $0x60  }
0xaf: {  	[dreg:$0x2] =	wrdreg s18  }
0xb0: {  	[dreg:$0x3] =	wrdreg s2  }
0xb1: {  	[dreg:$0x4] =	wrdreg s24  }
0xb2: {  	[dreg:$0x5] =	wrdreg $0x9  }
0xb3: {  	_ =	task.clear_ibuf [dreg:s8], $0x6FFFF;
	_ =	strace $0x90000046  }
0xb4: {  	s29 =	simm.s32 $0x9;
	_ =	strace $0x80000048  }
0xb5: {  	_ =	swait.ge [sflag:s29], $0x1  }
0xb6: {  	[sflag:s29] =	ssyncadd.s32 $0xFFFFFFFF  }
0xb7: {  	_ =	strace $0x90000048  }
0xb8: {  	_ =	sfence  }
0xb9: {  	s30 =	sld [smem:$0x0];
	_ =	sdelay $0x2  }
0xba: {  	s31 =	sshll.u32 s1, $0xD;
	s1 =	sshrl.u32 s1, $0x2  }
0xbb: {  	s3 =	sand.u32 $0x4000, s31;
	s1 =	sadd.s32 s1, s30  }
0xbc: {  	s0 =	sor.u32 s3, s0;
	s1 =	sshll.u32 s1, $0x11  }
0xbd: {  	s0 =	sor.u32 s1, s0  }
0xbe: {  	s0 =	sadd.s32 $0x8F2B, s0  }
0xbf: {  	[sflag:s0] =	ssyncadd.remote.s32 $0x1  }
0xc0: {  	_ =	sfence.sel $0xFFFF  }
0xc1: {  	[dreg:$0x0] =	wrdreg $0xFFFFFFFF;
	(pc) =	sbr.abs _section_cstart, $3  }
0xc2: {  	[dreg:$0x1] =	wrdreg $0xFFFFFFFF  }
0xc3: {  	_ =	task.clear_ibuf [dreg:s8], $0x2FFFF;
	_ =	strace $0x9FFFFFFF  }
0xc4: {  	(tm) =	ssettm $0x7FFFFFFF  }
0xc5: {  	_ =	shalt  }
tec
execute0_lowered:
.L_overlay_start_1:
0x0: {  	(tag) =	ssettag $0x1  }
0x1: {  	s0 =	rddreg [dreg:$0x0]  }
0x2: {  	s1 =	rddreg [dreg:$0x1]  }
0x3: {  	s2 =	rddreg [dreg:$0x2];
	s3 =	simm.s32 $0x0  }
0x4: {  	s4 =	srdreg.scid;
	s11 =	stileid.u32;
	s31 =	simm.s32 $0x2  }
0x5: {  	s4 =	sand.u32 $0x1, s4;
	s5 =	sshll.u32 s11, $0x1;
	s6 =	smul.u32 $0x1C0000, s11  }
0x6: {  	[smem:$0x7FF] =	sst s3;
	s2 =	sadd.s32 $0x400, s2;
	s22 =	smul.u32 $0x38000, s11  }
0x7: {  	s5 =	sor.u32 s4, s5;
	s7 =	smul.u32 $0xE0000, s4;
	s8 =	ssub.s32 $0x2, s4  }
0x8: {  	_ =	strace $0x80000047;
	s5 =	smul.u32 $0x320, s5;
	s9 =	sshrl.u32 s8, $0x1  }
0x9: {  	s23 =	smul.u32 $0x1C000, s4;
	s15 =	sadd.s32 s7, s6;
	s7 =	ssub.s32 s8, s9  }
0xa: {  	s0 =	sadd.s32 s0, s5;
	s8 =	sor.u32 $0x1A400, s15;
	s9 =	smax.u32 s7, $0x1  }
0xb: {  	s10 =	sor.u32 $0x18800, s15;
	s13 =	sor.u32 $0x16C00, s15;
	s16 =	sor.u32 $0x15000, s15  }
0xc: {  	s18 =	sor.u32 $0x13400, s15;
	s20 =	sor.u32 $0x11800, s15;
	s24 =	sor.u32 $0xC400, s15  }
0xd: {  	s5 =	sadd.s32 s22, s2;
	s26 =	sor.u32 $0x8C00, s15;
	s28 =	sor.u32 $0x7000, s15  }
0xe: {  	s29 =	sor.u32 $0x5400, s15;
	s22 =	simm.s32 $0x1;
	[dreg:$0x4] =	wrdreg s0  }
0xf: {  	[dreg:$0x5] =	wrdreg s9;
	s0 =	sshrl.u32 s8, $0x3;
	s12 =	sshrl.u32 s10, $0x3  }
0x10: {  	s14 =	sshrl.u32 s13, $0x3;
	s17 =	sshrl.u32 s16, $0x3;
	s19 =	sshrl.u32 s18, $0x3  }
0x11: {  	s21 =	sshrl.u32 s20, $0x3;
	s4 =	sshrl.u32 s24, $0x3;
	s30 =	sshrl.u32 s29, $0x3  }
0x12: {  	s18 =	simm.s32 $0x15E00;
	s24 =	simm.s32 $0x3;
	s20 =	simm.s32 $0x4  }
0x13: {  	s6 =	sadd.s32 s0, s2;
	s7 =	sadd.s32 s12, s2;
	s8 =	sadd.s32 s14, s2  }
0x14: {  	s9 =	sadd.s32 s17, s2;
	s10 =	sadd.s32 s19, s2;
	s11 =	sadd.s32 s21, s2  }
0x15: {  	s14 =	sor.u32 $0xA800, s15;
	s12 =	sadd.s32 s23, s5;
	s13 =	sadd.s32 s4, s2  }
.Ltmp0:
0x16: {  	s0 =	sshrl.u32 s26, $0x3;
	s4 =	sshrl.u32 s28, $0x3;
	(pc) =	sbr.rel .LBB2_1-.Ltmp0, $4  }
0x17: {  	s17 =	sadd.s32 s30, s2;
	s21 =	simm.s32 $0xE100;
	s5 =	simm.s32 $0x14500  }
0x18: {  	s23 =	simm.s32 $0x17700;
	s19 =	simm.s32 $0x19000;
	s25 =	sshrl.u32 s14, $0x3  }
0x19: {  	s15 =	sadd.s32 s0, s2;
	s16 =	sadd.s32 s4, s2;
	s4 =	simm.s32 $0x12C00  }
0x1a: {  	s0 =	simm.s32 $0x0;
	s14 =	sadd.s32 s25, s2;
	s2 =	simm.s32 $0x11300  }
.LBB2_4:
0x1b: {  	s0 =	rddreg [dreg:$0x6]  }
0x1c: {  	s25 =	rddreg [dreg:$0x5];
	s0 =	sadd.s32 $0x1, s0  }
0x1d: {  	p0 =	sne.s32 s0, s25  }
.Ltmp1:
0x1e: {  	_ = 	snop;
	(pc) =	sbr.rel @!p0 .LBB2_5-.Ltmp1, $1  }
0x1f: {  	_ =	sdelay $0x3  }
.LBB2_1:
0x20: {  	[dreg:$0x6] =	wrdreg s0  }
0x21: {  	s25 =	rddreg [dreg:$0x4];
	s28 =	simm.s32 $0x5  }
0x22: {  	[tilespmem:s3], [sflag:$0x5] =	stream.linear.gather [hbm4b:s25+s3], $0x1900, $0x38;
	[tilespmem:$0x1A900] =	vst v63  }
0x23: {  	_ =	swait.ge [sflag:s28], $0x1900  }
0x24: {  	[sflag:s28] =	ssyncset.done $0x0  }
0x25: {  	s29 =	simm.s32 $0x190;
	s30 =	simm.s32 $0x1900;
	[sflag:s28] =	ssyncadd.s32 $0xFFFFE700  }
0x26: {  	[tilespmem:s30], [sflag:$0x1] =	stream.indirect.gather [hbm4b:s1+s29], $0x80, s3, s29, $0xb8;
	[tilespmem:$0x1A900] =	vst v63  }
0x27: {  	s0 =	simm.s32 $0x190;
	s26 =	simm.s32 $0x0;
	s25 =	simm.s32 $0x4B0  }
0x28: {  	[tilespmem:s21], [sflag:$0x2] =	stream.indirect.gather [hbm4b:s1+s29], $0x80, s29, s29, $0xb8;
	[tilespmem:$0x1A900] =	vst v63  }
.LBB2_2:
0x29: {  	_ =	swait.ge [sflag:s22], $0xC800  }
0x2a: {  	[sflag:s22] =	ssyncset.done $0x0  }
0x2b: {  	s28 =	sadd.s32 s26, s12;
	s29 =	simm.s32 $0x1900;
	[sflag:s22] =	ssyncadd.s32 $0xFFFF3800  }
0x2c: {  	[hbm4b:s28+s3] =	stream.linear.scatter [tilespmem:s29], [sflag:$0x3], $0x1900, $0x38;
	[tilespmem:$0x1A900] =	vst v63  }
0x2d: {  	s30 =	simm.s32 $0x3200;
	s29 =	sadd.s32 $0x380, s28  }
0x2e: {  	[hbm4b:s29+s3] =	stream.linear.scatter [tilespmem:s30], [sflag:$0x3], $0x1900, $0x38;
	[tilespmem:$0x1A900] =	vst v63  }
0x2f: {  	s29 =	sadd.s32 $0x700, s28;
	s30 =	simm.s32 $0x4B00  }
0x30: {  	[hbm4b:s29+s3] =	stream.linear.scatter [tilespmem:s30], [sflag:$0x3], $0x1900, $0x38;
	[tilespmem:$0x1A900] =	vst v63  }
0x31: {  	s29 =	sadd.s32 s26, s17;
	s30 =	simm.s32 $0x6400  }
0x32: {  	[hbm4b:s29+s3] =	stream.linear.scatter [tilespmem:s30], [sflag:$0x3], $0x1900, $0x38;
	[tilespmem:$0x1A900] =	vst v63  }
0x33: {  	s29 =	sadd.s32 s26, s16;
	s30 =	simm.s32 $0x7D00  }
0x34: {  	[hbm4b:s29+s3] =	stream.linear.scatter [tilespmem:s30], [sflag:$0x3], $0x1900, $0x38;
	[tilespmem:$0x1A900] =	vst v63  }
0x35: {  	s29 =	sadd.s32 s26, s15;
	s30 =	simm.s32 $0x9600  }
0x36: {  	[hbm4b:s29+s3] =	stream.linear.scatter [tilespmem:s30], [sflag:$0x3], $0x1900, $0x38;
	[tilespmem:$0x1A900] =	vst v63  }
0x37: {  	s29 =	sadd.s32 s26, s14;
	s30 =	simm.s32 $0xAF00  }
0x38: {  	[hbm4b:s29+s3] =	stream.linear.scatter [tilespmem:s30], [sflag:$0x3], $0x1900, $0x38;
	[tilespmem:$0x1A900] =	vst v63  }
0x39: {  	s29 =	sadd.s32 s26, s13;
	s30 =	simm.s32 $0xC800  }
0x3a: {  	[hbm4b:s29+s3] =	stream.linear.scatter [tilespmem:s30], [sflag:$0x3], $0x1900, $0x38;
	[tilespmem:$0x1A900] =	vst v63  }
0x3b: {  	_ =	swait.ge [sflag:s31], $0xC800  }
0x3c: {  	[sflag:s31] =	ssyncset.done $0x0  }
0x3d: {  	s30 =	sadd.s32 $0x1C00, s28;
	[sflag:s31] =	ssyncadd.s32 $0xFFFF3800  }
0x3e: {  	[hbm4b:s30+s3] =	stream.linear.scatter [tilespmem:s21], [sflag:$0x4], $0x1900, $0x38;
	[tilespmem:$0x1A900] =	vst v63  }
0x3f: {  	s28 =	sadd.s32 $0x1F80, s28;
	s30 =	simm.s32 $0xFA00  }
0x40: {  	[hbm4b:s28+s3] =	stream.linear.scatter [tilespmem:s30], [sflag:$0x4], $0x1900, $0x38;
	[tilespmem:$0x1A900] =	vst v63  }
0x41: {  	s29 =	sadd.s32 s26, s11  }
0x42: {  	[hbm4b:s29+s3] =	stream.linear.scatter [tilespmem:s2], [sflag:$0x4], $0x1900, $0x38;
	[tilespmem:$0x1A900] =	vst v63  }
0x43: {  	s30 =	sadd.s32 s26, s10  }
0x44: {  	[hbm4b:s30+s3] =	stream.linear.scatter [tilespmem:s4], [sflag:$0x4], $0x1900, $0x38;
	[tilespmem:$0x1A900] =	vst v63  }
0x45: {  	s29 =	sadd.s32 s26, s9  }
0x46: {  	[hbm4b:s29+s3] =	stream.linear.scatter [tilespmem:s5], [sflag:$0x4], $0x1900, $0x38;
	[tilespmem:$0x1A900] =	vst v63  }
0x47: {  	s30 =	sadd.s32 s26, s8  }
0x48: {  	[hbm4b:s30+s3] =	stream.linear.scatter [tilespmem:s18], [sflag:$0x4], $0x1900, $0x38;
	[tilespmem:$0x1A900] =	vst v63  }
0x49: {  	s29 =	sadd.s32 s26, s7  }
0x4a: {  	[hbm4b:s29+s3] =	stream.linear.scatter [tilespmem:s23], [sflag:$0x4], $0x1900, $0x38;
	[tilespmem:$0x1A900] =	vst v63  }
0x4b: {  	s30 =	sadd.s32 s26, s6  }
0x4c: {  	[hbm4b:s30+s3] =	stream.linear.scatter [tilespmem:s19], [sflag:$0x4], $0x1900, $0x38;
	[tilespmem:$0x1A900] =	vst v63  }
0x4d: {  	_ =	swait.ge [sflag:s24], $0x1900  }
0x4e: {  	[sflag:s24] =	ssyncset.done $0x0  }
0x4f: {  	[sflag:s24] =	ssyncadd.s32 $0xFFFFE700  }
0x50: {  	_ =	swait.ge [sflag:s24], $0x1900  }
0x51: {  	[sflag:s24] =	ssyncset.done $0x0  }
0x52: {  	[sflag:s24] =	ssyncadd.s32 $0xFFFFE700  }
0x53: {  	_ =	swait.ge [sflag:s24], $0x1900  }
0x54: {  	[sflag:s24] =	ssyncset.done $0x0  }
0x55: {  	[sflag:s24] =	ssyncadd.s32 $0xFFFFE700  }
0x56: {  	_ =	swait.ge [sflag:s24], $0x1900  }
0x57: {  	[sflag:s24] =	ssyncset.done $0x0  }
0x58: {  	[sflag:s24] =	ssyncadd.s32 $0xFFFFE700  }
0x59: {  	_ =	swait.ge [sflag:s24], $0x1900  }
0x5a: {  	[sflag:s24] =	ssyncset.done $0x0  }
0x5b: {  	[sflag:s24] =	ssyncadd.s32 $0xFFFFE700  }
0x5c: {  	_ =	swait.ge [sflag:s24], $0x1900  }
0x5d: {  	[sflag:s24] =	ssyncset.done $0x0  }
0x5e: {  	[sflag:s24] =	ssyncadd.s32 $0xFFFFE700  }
0x5f: {  	_ =	swait.ge [sflag:s24], $0x1900  }
0x60: {  	[sflag:s24] =	ssyncset.done $0x0  }
0x61: {  	[sflag:s24] =	ssyncadd.s32 $0xFFFFE700  }
0x62: {  	p0 =	seq.s32 s26, $0x18800;
	_ =	swait.ge [sflag:s24], $0x1900  }
0x63: {  	s28 =	sadd.s32 @!p0 $0xFFFFFE70, s25;
	[sflag:s24] =	ssyncset.done $0x0  }
0x64: {  	s29 =	simm.s32 @!p0 $0x190;
	s30 =	simm.s32 @!p0 $0x1900;
	[sflag:s24] =	ssyncadd.s32 $0xFFFFE700  }
0x65: {  	[tilespmem:s30], [sflag:$0x1] =	stream.indirect.gather @!p0 [hbm4b:s1+s29], $0x80, s28, s29, $0xb8;
	[tilespmem:$0x1A900] =	vst v63  }
0x66: {  	_ =	swait.ge [sflag:s20], $0x1900  }
0x67: {  	[sflag:s20] =	ssyncset.done $0x0  }
0x68: {  	[sflag:s20] =	ssyncadd.s32 $0xFFFFE700  }
0x69: {  	_ =	swait.ge [sflag:s20], $0x1900  }
0x6a: {  	[sflag:s20] =	ssyncset.done $0x0  }
0x6b: {  	[sflag:s20] =	ssyncadd.s32 $0xFFFFE700  }
0x6c: {  	_ =	swait.ge [sflag:s20], $0x1900  }
0x6d: {  	[sflag:s20] =	ssyncset.done $0x0  }
0x6e: {  	[sflag:s20] =	ssyncadd.s32 $0xFFFFE700  }
0x6f: {  	_ =	swait.ge [sflag:s20], $0x1900  }
0x70: {  	[sflag:s20] =	ssyncset.done $0x0  }
0x71: {  	[sflag:s20] =	ssyncadd.s32 $0xFFFFE700  }
0x72: {  	_ =	swait.ge [sflag:s20], $0x1900  }
0x73: {  	[sflag:s20] =	ssyncset.done $0x0  }
0x74: {  	[sflag:s20] =	ssyncadd.s32 $0xFFFFE700  }
0x75: {  	_ =	swait.ge [sflag:s20], $0x1900  }
0x76: {  	[sflag:s20] =	ssyncset.done $0x0  }
0x77: {  	[sflag:s20] =	ssyncadd.s32 $0xFFFFE700  }
0x78: {  	_ =	swait.ge [sflag:s20], $0x1900  }
.Ltmp2:
0x79: {  	[sflag:s20] =	ssyncset.done $0x0;
	(pc) =	sbr.rel @p0 .LBB2_4-.Ltmp2, $4  }
0x7a: {  	[sflag:s20] =	ssyncadd.s32 $0xFFFFE700  }
0x7b: {  	_ =	swait.ge [sflag:s20], $0x1900  }
0x7c: {  	[sflag:s20] =	ssyncset.done $0x0  }
0x7d: {  	[sflag:s20] =	ssyncadd.s32 $0xFFFFE700  }
.Ltmp3:
0x7e: {  	(pc) =	sbr.rel .LBB2_2-.Ltmp3, $3  }
0x7f: {  	_ =	sdelay $0x1  }
0x80: {  	[tilespmem:s21], [sflag:$0x2] =	stream.indirect.gather [hbm4b:s1+s0], $0x80, s25, s0, $0xb8;
	[tilespmem:$0x1A900] =	vst v63  }
0x81: {  	s25 =	sadd.s32 $0x320, s25;
	s26 =	sadd.s32 $0x3800, s26  }
.LBB2_5:
0x82: {  	_ =	sfence.sel $0x180000  }
0x83: {  	[bflag:$0x0] =	sbarrier.arrive $0xFFFF  }
0x84: {  	_ =	strace $0x90000047  }
0x85: {  	s0 =	stileid.u32;
	[bflag:$0x2] =	sbarrier.arrive $0xFFFF  }
0x86: {  	p0 =	sne.s32 s0, $0x0;
	s0 =	rddreg [dreg:$0x3]  }
0x87: {  	s0 =	sadd.s32 @!p0 $0x100000, s0  }
0x88: {  	[sflag:s0] =	ssyncadd.tile.s32 @!p0 $0x1;
	_ =	shalt  }
.Lfunc_end2:
_tile_overlayer_lowered:
.L_overlay_start_2:
0x89: {  	(tag) =	ssettag $0x2  }
0x8a: {  	s0 =	rddreg [dreg:$0x0];
	s2 =	stileid.u32  }
0x8b: {  	s1 =	rddreg [dreg:$0x1];
	p0 =	sne.s32 s2, $0x0  }
0x8c: {  	s3 =	rddreg [dreg:$0x2];
	[bflag:$0x3] =	sbarrier.arrive $0xFFFF;
	s2 =	simm.s32 @!p0 $0x1C05  }
0x8d: {  	[timem:s3], [sflag:s2] =	dma.local @!p0 [hbm:s0], s1  }
0x8e: {  	s0 =	simm.s32 @!p0 $0x5  }
0x8f: {  	_ =	swait.ge @!p0 [sflag:s0], s1  }
0x90: {  	s1 =	ssub.s32 @!p0 $0x0, s1;
	[sflag:s0] =	ssyncset.done @!p0 $0x0  }
0x91: {  	[sflag:s0] =	ssyncadd.s32 @!p0 s1  }
0x92: {  	[bflag:$0x3] =	sbarrier.arrive $0xFFFF  }
0x93: {  	_ =	shalt  }

</sc_bundles>
